<compile_context>
chip_gen: v7x
topology: tpu7x:2x2x1
jax: 0.10.2.dev20260603
libtpu: 0.0.44.dev20260713+nightly
codegen_flags: <defaults>
</compile_context>

<pallas_src>
import jax
import jax.numpy as jnp
from jax import lax
from jax.experimental import pallas as pl
from jax.experimental.pallas import tpu as pltpu
from jax.experimental.pallas import tpu_sc as plsc

N_PICKS = 10
IOU_THRESH = 0.25
NEG_INF = float("-inf")
L = 16
NS = 16
CHUNK = 1280
NVEC = CHUNK // L
UNROLL = 4
NPAD = NS * CHUNK


def _permute(x, idx):
    return x.at[idx].get(mode="promise_in_bounds")


def _lane_argmax(v, i, lane):
    for sh in (8, 4, 2, 1):
        pidx = lane ^ sh
        pv = _permute(v, pidx)
        pi = _permute(i, pidx)
        take = (pv > v) | ((pv == v) & (pi < i))
        v = jnp.where(take, pv, v)
        i = jnp.where(take, pi, i)
    return v, i


def _nms_body(s_hbm, y0_hbm, x0_hbm, y1_hbm, x1_hbm, out_hbm,
              s_ref, y0_ref, x0_ref, y1_ref, x1_ref,
              pub_ref, lb_ref, out_ref, shared_ref, sem):
    sid = lax.axis_index("s")
    base = pl.multiple_of(sid * CHUNK, CHUNK)

    copies = [pltpu.make_async_copy(h.at[pl.ds(base, CHUNK)], r, sem)
              for h, r in ((s_hbm, s_ref), (y0_hbm, y0_ref),
                           (x0_hbm, x0_ref), (y1_hbm, y1_ref),
                           (x1_hbm, x1_ref))]
    for c in copies:
        c.start()
    for c in copies:
        c.wait()

    lane = lax.broadcasted_iota(jnp.int32, (L,), 0)
    neg_inf_v = jnp.full((L,), NEG_INF, jnp.float32)
    zero_v = jnp.zeros((L,), jnp.float32)
    zero_i = jnp.zeros((L,), jnp.int32)

    @plsc.parallel_loop(0, NVEC, unroll=UNROLL, carry=(neg_inf_v, zero_i))
    def amax0(i, carry):
        bv, bc = carry
        off = pl.multiple_of(i * L, L)
        v = s_ref[pl.ds(off, L)]
        cond = v > bv
        return jnp.where(cond, v, bv), jnp.where(cond, i, bc)

    def do_pick(t, bv, bc, w0m, w0row):
        m_v, li_v = _lane_argmax(bv, bc * L + lane, lane)
        row = jnp.where(lane == 0, m_v, zero_v)
        row = jnp.where(lane == 1, plsc.load_gather(y0_ref, [li_v]), row)
        row = jnp.where(lane == 2, plsc.load_gather(x0_ref, [li_v]), row)
        row = jnp.where(lane == 3, plsc.load_gather(y1_ref, [li_v]), row)
        row = jnp.where(lane == 4, plsc.load_gather(x1_ref, [li_v]), row)

        pub_ref[pl.ds(0, L)] = row
        slot = pl.multiple_of(t * (NS * L) + sid * L, L)
        pltpu.sync_copy(pub_ref, shared_ref.at[pl.ds(slot, L)])
        plsc.subcore_barrier()

        rb = pl.multiple_of(t * (NS * L), L)
        pltpu.sync_copy(shared_ref.at[pl.ds(rb, NS * L)], lb_ref)

        def red_body(r, carry2):
            bm, brow = carry2
            roff = pl.multiple_of(r * L, L)
            rrow = lb_ref[pl.ds(roff, L)]
            rm = _permute(rrow, lane * 0)
            cond = rm > bm
            return jnp.where(cond, rm, bm), jnp.where(cond, rrow, brow)

        bm, brow = lax.fori_loop(0, NS, red_body, (neg_inf_v, zero_v))

        fb = bm == neg_inf_v
        brow = jnp.where(fb, w0row, brow)
        first = jnp.broadcast_to(t == 0, (L,))
        w0m = jnp.where(first, bm, w0m)
        w0row = jnp.where(first, brow, w0row)

        plsc.store_scatter(out_ref, [t * 5 + lane], brow, mask=lane < 5)
        return brow, w0m, w0row

    def pick_body(t, carry):
        bv, bc, w0m, w0row = carry
        brow, w0m, w0row = do_pick(t, bv, bc, w0m, w0row)

        by0 = _permute(brow, lane * 0 + 1)
        bx0 = _permute(brow, lane * 0 + 2)
        by1 = _permute(brow, lane * 0 + 3)
        bx1 = _permute(brow, lane * 0 + 4)
        carea = (by1 - by0) * (bx1 - bx0)

        @plsc.parallel_loop(0, NVEC, unroll=UNROLL,
                            carry=(neg_inf_v, zero_i))
        def sup(i, carry2):
            nbv, nbc = carry2
            off = pl.multiple_of(i * L, L)
            vy0 = y0_ref[pl.ds(off, L)]
            vx0 = x0_ref[pl.ds(off, L)]
            vy1 = y1_ref[pl.ds(off, L)]
            vx1 = x1_ref[pl.ds(off, L)]
            vs = s_ref[pl.ds(off, L)]
            l0 = jnp.minimum(vy1, by1) - jnp.maximum(vy0, by0)
            l1 = jnp.minimum(vx1, bx1) - jnp.maximum(vx0, bx0)
            inter = jnp.where((l0 < 0) | (l1 < 0), 0.0, l0 * l1)
            area = (vy1 - vy0) * (vx1 - vx0)
            iou = inter / (area + carea - inter)
            ns = jnp.where(iou < IOU_THRESH, vs, neg_inf_v)
            s_ref[pl.ds(off, L)] = ns
            cond = ns > nbv
            return jnp.where(cond, ns, nbv), jnp.where(cond, i, nbc)

        bv, bc = sup
        return bv, bc, w0m, w0row

    bv, bc, w0m, w0row = lax.fori_loop(
        0, N_PICKS - 1, pick_body, (amax0[0], amax0[1], zero_v, zero_v))
    do_pick(N_PICKS - 1, bv, bc, w0m, w0row)

    @pl.when(sid == 0)
    def _():
        pltpu.sync_copy(out_ref, out_hbm)


_nms_call = pl.kernel(
    _nms_body,
    out_type=jax.ShapeDtypeStruct((N_PICKS * 5,), jnp.float32),
    mesh=plsc.VectorSubcoreMesh(core_axis_name="c", subcore_axis_name="s",
                                num_cores=1),
    compiler_params=pltpu.CompilerParams(needs_layout_passes=False),
    scratch_types=[
        pltpu.VMEM((CHUNK,), jnp.float32),
        pltpu.VMEM((CHUNK,), jnp.float32),
        pltpu.VMEM((CHUNK,), jnp.float32),
        pltpu.VMEM((CHUNK,), jnp.float32),
        pltpu.VMEM((CHUNK,), jnp.float32),
        pltpu.VMEM((L,), jnp.float32),
        pltpu.VMEM((NS * L,), jnp.float32),
        pltpu.VMEM((N_PICKS * 5,), jnp.float32),
        pltpu.VMEM_SHARED((N_PICKS * NS * L,), jnp.float32),
        pltpu.SemaphoreType.DMA,
    ],
)


def kernel(scores, boxes, top_n):
    del top_n
    n = scores.shape[0]
    pad = NPAD - n
    s = jnp.concatenate([scores, jnp.full((pad,), NEG_INF, jnp.float32)])
    b = jnp.concatenate([boxes, jnp.zeros((pad, 4), jnp.float32)], axis=0)
    out = _nms_call(s, b[:, 0], b[:, 1], b[:, 2], b[:, 3])
    return out.reshape(N_PICKS, 5)

# --- scband reference (transcript-rebuilt; emitter-appended) ---
"""Pipeline reference for scband-ntsnet-6983616823584 (READ-ONLY COPY).

The authoritative reference and input builder live on the scoring server;
editing this copy changes nothing except your own understanding.
"""

import jax, jax.numpy as jnp
import numpy as np


def setup_inputs(seed: int = 0) -> dict:
    key = jax.random.key(seed)
    k1, k2 = jax.random.split(key)
    N = 20000
    scores = jax.random.uniform(k1, (N,), dtype=jnp.float32)
    raw = jax.random.uniform(k2, (N, 4), dtype=jnp.float32) * 448.0
    y0 = jnp.minimum(raw[:, 0], raw[:, 2])
    y1 = jnp.maximum(raw[:, 0], raw[:, 2])
    x0 = jnp.minimum(raw[:, 1], raw[:, 3])
    x1 = jnp.maximum(raw[:, 1], raw[:, 3])
    boxes = jnp.stack([y0, x0, y1, x1], axis=1)
    return {"scores": scores, "boxes": boxes, "top_n": 10}


def reference(scores, boxes, top_n):
    # Faithful JAX translation of hard_nms from NTSNet.
    # Original: sorts candidates ascending by score, repeatedly takes the
    # highest-scoring remaining candidate, keeps it, and removes all remaining
    # candidates with IoU >= 0.25 against it, until top_n picks are made.
    iou_thresh = 0.25
    order = jnp.argsort(-scores)  # descending score == taking from the end of ascending sort
    s = scores[order]
    b = boxes[order]  # [N, 4] as (y0, x0, y1, x1)
    n = s.shape[0]
    area = (b[:, 2] - b[:, 0]) * (b[:, 3] - b[:, 1])

    def body(t, carry):
        valid, picked = carry
        masked = jnp.where(valid, s, -jnp.inf)
        i = jnp.argmax(masked)
        picked = picked.at[t].set(i)
        cdd = b[i]
        start_max = jnp.maximum(b[:, 0:2], cdd[0:2])
        end_min = jnp.minimum(b[:, 2:4], cdd[2:4])
        lengths = end_min - start_max
        intersec = lengths[:, 0] * lengths[:, 1]
        intersec = jnp.where(jnp.logical_or(lengths[:, 0] < 0, lengths[:, 1] < 0), 0.0, intersec)
        cdd_area = (cdd[2] - cdd[0]) * (cdd[3] - cdd[1])
        iou = intersec / (area + cdd_area - intersec)
        # suppress everything with IoU >= thresh (the pick itself has IoU 1 with itself)
        valid = jnp.logical_and(valid, iou < iou_thresh)
        return valid, picked

    valid0 = jnp.ones((n,), dtype=bool)
    picked0 = jnp.zeros((10,), dtype=jnp.int32)
    valid, idx = jax.lax.fori_loop(0, top_n, body, (valid0, picked0))
    # return kept candidates as rows of (score, y0, x0, y1, x1), like hard_nms output
    return jnp.concatenate([s[idx][:, None], b[idx]], axis=1)

if __name__ == "__main__":
    import jax
    _d = setup_inputs()
    print(jax.jit(kernel)(*tuple(_d.values())))

</pallas_src>

<mosaic_0001>
#map = affine_map<(d0, d1) -> (0)>
module attributes {stable_mosaic.version = 14 : i64} {
  func.func @_nms_body(%arg0: i32, %arg1: i32, %arg2: memref<20480xf32, #tpu.memory_space<hbm>>, %arg3: memref<20480xf32, #tpu.memory_space<hbm>>, %arg4: memref<20480xf32, #tpu.memory_space<hbm>>, %arg5: memref<20480xf32, #tpu.memory_space<hbm>>, %arg6: memref<20480xf32, #tpu.memory_space<hbm>>, %arg7: memref<50xf32, #tpu.memory_space<hbm>>, %arg8: memref<1280xf32, #tpu.memory_space<vmem>>, %arg9: memref<1280xf32, #tpu.memory_space<vmem>>, %arg10: memref<1280xf32, #tpu.memory_space<vmem>>, %arg11: memref<1280xf32, #tpu.memory_space<vmem>>, %arg12: memref<1280xf32, #tpu.memory_space<vmem>>, %arg13: memref<16xf32, #tpu.memory_space<vmem>>, %arg14: memref<256xf32, #tpu.memory_space<vmem>>, %arg15: memref<50xf32, #tpu.memory_space<vmem>>, %arg16: memref<2560xf32, #tpu.memory_space<vmem_shared>>, %arg17: memref<!tpu.dma_semaphore, #tpu.memory_space<semaphore_mem>>) attributes {dimension_semantics = [#tpu.dimension_semantics<core_parallel>, #tpu.dimension_semantics<subcore_parallel>], iteration_bounds = array<i64: 1, 16>, scalar_prefetch = 0 : i64, scratch_operands = 10 : i64, tpu.core_type = #tpu.core_type<sc_vector_subcore>, window_params = [{transform_indices = #map}, {transform_indices = #map}, {transform_indices = #map}, {transform_indices = #map}, {transform_indices = #map}, {transform_indices = #map}]} {
    %mul3A = arith.constant 1280 : i32
    %mul3A_0 = arith.muli %arg1, %mul3A : i32
    %multiple_of3A = tpu.assume_multiple %mul3A_0, 1280 : i32
    %dma_start3A = tpu.memref_slice %arg2[%multiple_of3A] : memref<20480xf32, #tpu.memory_space<hbm>> -> memref<1280xf32, #tpu.memory_space<hbm>>
    %dma_start3A_1 = tpu.memref_slice %arg2[%multiple_of3A] : memref<20480xf32, #tpu.memory_space<hbm>> -> memref<1280xf32, #tpu.memory_space<hbm>>
    tpu.enqueue_dma source(%dma_start3A_1 : memref<1280xf32, #tpu.memory_space<hbm>>) target(%arg8 : memref<1280xf32, #tpu.memory_space<vmem>>) target_semaphore(%arg17 : memref<!tpu.dma_semaphore, #tpu.memory_space<semaphore_mem>>)
    %dma_start3A_2 = tpu.memref_slice %arg3[%multiple_of3A] : memref<20480xf32, #tpu.memory_space<hbm>> -> memref<1280xf32, #tpu.memory_space<hbm>>
    %dma_start3A_3 = tpu.memref_slice %arg3[%multiple_of3A] : memref<20480xf32, #tpu.memory_space<hbm>> -> memref<1280xf32, #tpu.memory_space<hbm>>
    tpu.enqueue_dma source(%dma_start3A_3 : memref<1280xf32, #tpu.memory_space<hbm>>) target(%arg9 : memref<1280xf32, #tpu.memory_space<vmem>>) target_semaphore(%arg17 : memref<!tpu.dma_semaphore, #tpu.memory_space<semaphore_mem>>)
    %dma_start3A_4 = tpu.memref_slice %arg4[%multiple_of3A] : memref<20480xf32, #tpu.memory_space<hbm>> -> memref<1280xf32, #tpu.memory_space<hbm>>
    %dma_start3A_5 = tpu.memref_slice %arg4[%multiple_of3A] : memref<20480xf32, #tpu.memory_space<hbm>> -> memref<1280xf32, #tpu.memory_space<hbm>>
    tpu.enqueue_dma source(%dma_start3A_5 : memref<1280xf32, #tpu.memory_space<hbm>>) target(%arg10 : memref<1280xf32, #tpu.memory_space<vmem>>) target_semaphore(%arg17 : memref<!tpu.dma_semaphore, #tpu.memory_space<semaphore_mem>>)
    %dma_start3A_6 = tpu.memref_slice %arg5[%multiple_of3A] : memref<20480xf32, #tpu.memory_space<hbm>> -> memref<1280xf32, #tpu.memory_space<hbm>>
    %dma_start3A_7 = tpu.memref_slice %arg5[%multiple_of3A] : memref<20480xf32, #tpu.memory_space<hbm>> -> memref<1280xf32, #tpu.memory_space<hbm>>
    tpu.enqueue_dma source(%dma_start3A_7 : memref<1280xf32, #tpu.memory_space<hbm>>) target(%arg11 : memref<1280xf32, #tpu.memory_space<vmem>>) target_semaphore(%arg17 : memref<!tpu.dma_semaphore, #tpu.memory_space<semaphore_mem>>)
    %dma_start3A_8 = tpu.memref_slice %arg6[%multiple_of3A] : memref<20480xf32, #tpu.memory_space<hbm>> -> memref<1280xf32, #tpu.memory_space<hbm>>
    %dma_start3A_9 = tpu.memref_slice %arg6[%multiple_of3A] : memref<20480xf32, #tpu.memory_space<hbm>> -> memref<1280xf32, #tpu.memory_space<hbm>>
    tpu.enqueue_dma source(%dma_start3A_9 : memref<1280xf32, #tpu.memory_space<hbm>>) target(%arg12 : memref<1280xf32, #tpu.memory_space<vmem>>) target_semaphore(%arg17 : memref<!tpu.dma_semaphore, #tpu.memory_space<semaphore_mem>>)
    %dma_wait3A = tpu.memref_slice %arg2[%multiple_of3A] : memref<20480xf32, #tpu.memory_space<hbm>> -> memref<1280xf32, #tpu.memory_space<hbm>>
    %dma_wait3A_10 = tpu.memref_slice %arg2[%multiple_of3A] : memref<20480xf32, #tpu.memory_space<hbm>> -> memref<1280xf32, #tpu.memory_space<hbm>>
    tpu.wait_dma2 semaphore(%arg17 : memref<!tpu.dma_semaphore, #tpu.memory_space<semaphore_mem>>) src(%dma_wait3A_10 : memref<1280xf32, #tpu.memory_space<hbm>>) dst(%arg8 : memref<1280xf32, #tpu.memory_space<vmem>>)
    %dma_wait3A_11 = tpu.memref_slice %arg3[%multiple_of3A] : memref<20480xf32, #tpu.memory_space<hbm>> -> memref<1280xf32, #tpu.memory_space<hbm>>
    %dma_wait3A_12 = tpu.memref_slice %arg3[%multiple_of3A] : memref<20480xf32, #tpu.memory_space<hbm>> -> memref<1280xf32, #tpu.memory_space<hbm>>
    tpu.wait_dma2 semaphore(%arg17 : memref<!tpu.dma_semaphore, #tpu.memory_space<semaphore_mem>>) src(%dma_wait3A_12 : memref<1280xf32, #tpu.memory_space<hbm>>) dst(%arg9 : memref<1280xf32, #tpu.memory_space<vmem>>)
    %dma_wait3A_13 = tpu.memref_slice %arg4[%multiple_of3A] : memref<20480xf32, #tpu.memory_space<hbm>> -> memref<1280xf32, #tpu.memory_space<hbm>>
    %dma_wait3A_14 = tpu.memref_slice %arg4[%multiple_of3A] : memref<20480xf32, #tpu.memory_space<hbm>> -> memref<1280xf32, #tpu.memory_space<hbm>>
    tpu.wait_dma2 semaphore(%arg17 : memref<!tpu.dma_semaphore, #tpu.memory_space<semaphore_mem>>) src(%dma_wait3A_14 : memref<1280xf32, #tpu.memory_space<hbm>>) dst(%arg10 : memref<1280xf32, #tpu.memory_space<vmem>>)
    %dma_wait3A_15 = tpu.memref_slice %arg5[%multiple_of3A] : memref<20480xf32, #tpu.memory_space<hbm>> -> memref<1280xf32, #tpu.memory_space<hbm>>
    %dma_wait3A_16 = tpu.memref_slice %arg5[%multiple_of3A] : memref<20480xf32, #tpu.memory_space<hbm>> -> memref<1280xf32, #tpu.memory_space<hbm>>
    tpu.wait_dma2 semaphore(%arg17 : memref<!tpu.dma_semaphore, #tpu.memory_space<semaphore_mem>>) src(%dma_wait3A_16 : memref<1280xf32, #tpu.memory_space<hbm>>) dst(%arg11 : memref<1280xf32, #tpu.memory_space<vmem>>)
    %dma_wait3A_17 = tpu.memref_slice %arg6[%multiple_of3A] : memref<20480xf32, #tpu.memory_space<hbm>> -> memref<1280xf32, #tpu.memory_space<hbm>>
    %dma_wait3A_18 = tpu.memref_slice %arg6[%multiple_of3A] : memref<20480xf32, #tpu.memory_space<hbm>> -> memref<1280xf32, #tpu.memory_space<hbm>>
    tpu.wait_dma2 semaphore(%arg17 : memref<!tpu.dma_semaphore, #tpu.memory_space<semaphore_mem>>) src(%dma_wait3A_18 : memref<1280xf32, #tpu.memory_space<hbm>>) dst(%arg12 : memref<1280xf32, #tpu.memory_space<vmem>>)
    %iota3A = tpu.iota {dimensions = array<i32: 0>} : vector<16xi32>
    %broadcast_in_dim3A = arith.constant 0xFF800000 : f32
    %broadcast_in_dim3A_19 = vector.broadcast %broadcast_in_dim3A : f32 to vector<16xf32>
    %broadcast_in_dim3A_20 = arith.constant 0.000000e+00 : f32
    %broadcast_in_dim3A_21 = vector.broadcast %broadcast_in_dim3A_20 : f32 to vector<16xf32>
    %broadcast_in_dim3A_22 = arith.constant 0 : i32
    %broadcast_in_dim3A_23 = vector.broadcast %broadcast_in_dim3A_22 : i32 to vector<16xi32>
    %parallel_loop3A = arith.constant 0 : i32
    %parallel_loop3A_24 = arith.constant 80 : i32
    %parallel_loop3A_25 = arith.constant 1 : i32
    %parallel_loop3A_26:2 = scf.for %parallel_loop3A_200 = %parallel_loop3A to %parallel_loop3A_24 step %parallel_loop3A_25 iter_args(%parallel_loop3A_201 = %broadcast_in_dim3A_19, %parallel_loop3A_202 = %broadcast_in_dim3A_23) -> (vector<16xf32>, vector<16xi32>)  : i32 {
      %parallel_loop3A_203 = arith.constant 16 : i32
      %parallel_loop3A_204 = arith.muli %parallel_loop3A_200, %parallel_loop3A_203 : i32
      %parallel_loop3A_205 = tpu.assume_multiple %parallel_loop3A_204, 16 : i32
      %parallel_loop3A_206 = arith.index_cast %parallel_loop3A_205 : i32 to index
      %parallel_loop3A_207 = tpu.vector_load %arg8[%parallel_loop3A_206] {strides = array<i32>} : memref<1280xf32, #tpu.memory_space<vmem>>, vector<16xf32>,
      %parallel_loop3A_208 = arith.cmpf ogt, %parallel_loop3A_207, %parallel_loop3A_201 : vector<16xf32>
      %parallel_loop3A_209 = arith.select %parallel_loop3A_208, %parallel_loop3A_207, %parallel_loop3A_201 : vector<16xi1>, vector<16xf32>
      %parallel_loop3A_210 = vector.broadcast %parallel_loop3A_200 : i32 to vector<16xi32>
      %parallel_loop3A_211 = arith.select %parallel_loop3A_208, %parallel_loop3A_210, %parallel_loop3A_202 : vector<16xi1>, vector<16xi32>
      scf.yield %parallel_loop3A_209, %parallel_loop3A_211 : vector<16xf32>, vector<16xi32>
    } {sc.loop_unroll_factor = 4 : i64, sc.parallel_access}
    %scan3A = arith.constant 0 : i32
    %scan3A_27 = arith.constant 9 : i32
    %scan3A_28 = arith.addi %scan3A, %scan3A_27 : i32
    %scan3A_29 = arith.constant 1 : i32
    %scan3A_30:4 = scf.for %scan3A_200 = %scan3A to %scan3A_28 step %scan3A_29 iter_args(%scan3A_201 = %parallel_loop3A_26#0, %scan3A_202 = %parallel_loop3A_26#1, %scan3A_203 = %broadcast_in_dim3A_21, %scan3A_204 = %broadcast_in_dim3A_21) -> (vector<16xf32>, vector<16xi32>, vector<16xf32>, vector<16xf32>)  : i32 {
      %mul3A_205 = arith.constant 16 : i32
      %mul3A_206 = vector.broadcast %mul3A_205 : i32 to vector<16xi32>
      %mul3A_207 = arith.muli %scan3A_202, %mul3A_206 : vector<16xi32>
      %add3A_208 = arith.addi %mul3A_207, %iota3A : vector<16xi32>
      %xor3A_209 = arith.constant 8 : i32
      %xor3A_210 = vector.broadcast %xor3A_209 : i32 to vector<16xi32>
      %xor3A_211 = arith.xori %iota3A, %xor3A_210 : vector<16xi32>
      %lt3A_212 = arith.constant 0 : i32
      %lt3A_213 = vector.broadcast %lt3A_212 : i32 to vector<16xi32>
      %lt3A_214 = arith.cmpi slt, %xor3A_211, %lt3A_213 : vector<16xi32>
      %add3A_215 = arith.constant 16 : i32
      %add3A_216 = vector.broadcast %add3A_215 : i32 to vector<16xi32>
      %add3A_217 = arith.addi %xor3A_211, %add3A_216 : vector<16xi32>
      %select_n3A_218 = arith.select %lt3A_214, %add3A_217, %xor3A_211 : vector<16xi1>, vector<16xi32>
      %broadcast_in_dim3A_219 = vector.shape_cast %select_n3A_218 : vector<16xi32> to vector<16x1xi32>
      %gather3A_220 = vector.shape_cast %broadcast_in_dim3A_219 : vector<16x1xi32> to vector<16xi32>
      %gather3A_221 = tpu.dynamic_gather %scan3A_201[%gather3A_220] in [0] : vector<16xf32>, vector<16xi32> -> vector<16xf32>
      %lt3A_222 = arith.constant 0 : i32
      %lt3A_223 = vector.broadcast %lt3A_222 : i32 to vector<16xi32>
      %lt3A_224 = arith.cmpi slt, %xor3A_211, %lt3A_223 : vector<16xi32>
      %add3A_225 = arith.constant 16 : i32
      %add3A_226 = vector.broadcast %add3A_225 : i32 to vector<16xi32>
      %add3A_227 = arith.addi %xor3A_211, %add3A_226 : vector<16xi32>
      %select_n3A_228 = arith.select %lt3A_224, %add3A_227, %xor3A_211 : vector<16xi1>, vector<16xi32>
      %broadcast_in_dim3A_229 = vector.shape_cast %select_n3A_228 : vector<16xi32> to vector<16x1xi32>
      %gather3A_230 = vector.shape_cast %broadcast_in_dim3A_229 : vector<16x1xi32> to vector<16xi32>
      %gather3A_231 = tpu.dynamic_gather %add3A_208[%gather3A_230] in [0] : vector<16xi32>, vector<16xi32> -> vector<16xi32>
      %gt3A_232 = arith.cmpf ogt, %gather3A_221, %scan3A_201 : vector<16xf32>
      %eq3A_233 = arith.cmpf oeq, %gather3A_221, %scan3A_201 : vector<16xf32>
      %lt3A_234 = arith.cmpi slt, %gather3A_231, %add3A_208 : vector<16xi32>
      %and3A_235 = arith.andi %eq3A_233, %lt3A_234 : vector<16xi1>
      %or3A_236 = arith.ori %gt3A_232, %and3A_235 : vector<16xi1>
      %select_n3A_237 = arith.select %or3A_236, %gather3A_221, %scan3A_201 : vector<16xi1>, vector<16xf32>
      %select_n3A_238 = arith.select %or3A_236, %gather3A_231, %add3A_208 : vector<16xi1>, vector<16xi32>
      %xor3A_239 = arith.constant 4 : i32
      %xor3A_240 = vector.broadcast %xor3A_239 : i32 to vector<16xi32>
      %xor3A_241 = arith.xori %iota3A, %xor3A_240 : vector<16xi32>
      %lt3A_242 = arith.constant 0 : i32
      %lt3A_243 = vector.broadcast %lt3A_242 : i32 to vector<16xi32>
      %lt3A_244 = arith.cmpi slt, %xor3A_241, %lt3A_243 : vector<16xi32>
      %add3A_245 = arith.constant 16 : i32
      %add3A_246 = vector.broadcast %add3A_245 : i32 to vector<16xi32>
      %add3A_247 = arith.addi %xor3A_241, %add3A_246 : vector<16xi32>
      %select_n3A_248 = arith.select %lt3A_244, %add3A_247, %xor3A_241 : vector<16xi1>, vector<16xi32>
      %broadcast_in_dim3A_249 = vector.shape_cast %select_n3A_248 : vector<16xi32> to vector<16x1xi32>
      %gather3A_250 = vector.shape_cast %broadcast_in_dim3A_249 : vector<16x1xi32> to vector<16xi32>
      %gather3A_251 = tpu.dynamic_gather %select_n3A_237[%gather3A_250] in [0] : vector<16xf32>, vector<16xi32> -> vector<16xf32>
      %lt3A_252 = arith.constant 0 : i32
      %lt3A_253 = vector.broadcast %lt3A_252 : i32 to vector<16xi32>
      %lt3A_254 = arith.cmpi slt, %xor3A_241, %lt3A_253 : vector<16xi32>
      %add3A_255 = arith.constant 16 : i32
      %add3A_256 = vector.broadcast %add3A_255 : i32 to vector<16xi32>
      %add3A_257 = arith.addi %xor3A_241, %add3A_256 : vector<16xi32>
      %select_n3A_258 = arith.select %lt3A_254, %add3A_257, %xor3A_241 : vector<16xi1>, vector<16xi32>
      %broadcast_in_dim3A_259 = vector.shape_cast %select_n3A_258 : vector<16xi32> to vector<16x1xi32>
      %gather3A_260 = vector.shape_cast %broadcast_in_dim3A_259 : vector<16x1xi32> to vector<16xi32>
      %gather3A_261 = tpu.dynamic_gather %select_n3A_238[%gather3A_260] in [0] : vector<16xi32>, vector<16xi32> -> vector<16xi32>
      %gt3A_262 = arith.cmpf ogt, %gather3A_251, %select_n3A_237 : vector<16xf32>
      %eq3A_263 = arith.cmpf oeq, %gather3A_251, %select_n3A_237 : vector<16xf32>
      %lt3A_264 = arith.cmpi slt, %gather3A_261, %select_n3A_238 : vector<16xi32>
      %and3A_265 = arith.andi %eq3A_263, %lt3A_264 : vector<16xi1>
      %or3A_266 = arith.ori %gt3A_262, %and3A_265 : vector<16xi1>
      %select_n3A_267 = arith.select %or3A_266, %gather3A_251, %select_n3A_237 : vector<16xi1>, vector<16xf32>
      %select_n3A_268 = arith.select %or3A_266, %gather3A_261, %select_n3A_238 : vector<16xi1>, vector<16xi32>
      %xor3A_269 = arith.constant 2 : i32
      %xor3A_270 = vector.broadcast %xor3A_269 : i32 to vector<16xi32>
      %xor3A_271 = arith.xori %iota3A, %xor3A_270 : vector<16xi32>
      %lt3A_272 = arith.constant 0 : i32
      %lt3A_273 = vector.broadcast %lt3A_272 : i32 to vector<16xi32>
      %lt3A_274 = arith.cmpi slt, %xor3A_271, %lt3A_273 : vector<16xi32>
      %add3A_275 = arith.constant 16 : i32
      %add3A_276 = vector.broadcast %add3A_275 : i32 to vector<16xi32>
      %add3A_277 = arith.addi %xor3A_271, %add3A_276 : vector<16xi32>
      %select_n3A_278 = arith.select %lt3A_274, %add3A_277, %xor3A_271 : vector<16xi1>, vector<16xi32>
      %broadcast_in_dim3A_279 = vector.shape_cast %select_n3A_278 : vector<16xi32> to vector<16x1xi32>
      %gather3A_280 = vector.shape_cast %broadcast_in_dim3A_279 : vector<16x1xi32> to vector<16xi32>
      %gather3A_281 = tpu.dynamic_gather %select_n3A_267[%gather3A_280] in [0] : vector<16xf32>, vector<16xi32> -> vector<16xf32>
      %lt3A_282 = arith.constant 0 : i32
      %lt3A_283 = vector.broadcast %lt3A_282 : i32 to vector<16xi32>
      %lt3A_284 = arith.cmpi slt, %xor3A_271, %lt3A_283 : vector<16xi32>
      %add3A_285 = arith.constant 16 : i32
      %add3A_286 = vector.broadcast %add3A_285 : i32 to vector<16xi32>
      %add3A_287 = arith.addi %xor3A_271, %add3A_286 : vector<16xi32>
      %select_n3A_288 = arith.select %lt3A_284, %add3A_287, %xor3A_271 : vector<16xi1>, vector<16xi32>
      %broadcast_in_dim3A_289 = vector.shape_cast %select_n3A_288 : vector<16xi32> to vector<16x1xi32>
      %gather3A_290 = vector.shape_cast %broadcast_in_dim3A_289 : vector<16x1xi32> to vector<16xi32>
      %gather3A_291 = tpu.dynamic_gather %select_n3A_268[%gather3A_290] in [0] : vector<16xi32>, vector<16xi32> -> vector<16xi32>
      %gt3A_292 = arith.cmpf ogt, %gather3A_281, %select_n3A_267 : vector<16xf32>
      %eq3A_293 = arith.cmpf oeq, %gather3A_281, %select_n3A_267 : vector<16xf32>
      %lt3A_294 = arith.cmpi slt, %gather3A_291, %select_n3A_268 : vector<16xi32>
      %and3A_295 = arith.andi %eq3A_293, %lt3A_294 : vector<16xi1>
      %or3A_296 = arith.ori %gt3A_292, %and3A_295 : vector<16xi1>
      %select_n3A_297 = arith.select %or3A_296, %gather3A_281, %select_n3A_267 : vector<16xi1>, vector<16xf32>
      %select_n3A_298 = arith.select %or3A_296, %gather3A_291, %select_n3A_268 : vector<16xi1>, vector<16xi32>
      %xor3A_299 = arith.constant 1 : i32
      %xor3A_300 = vector.broadcast %xor3A_299 : i32 to vector<16xi32>
      %xor3A_301 = arith.xori %iota3A, %xor3A_300 : vector<16xi32>
      %lt3A_302 = arith.constant 0 : i32
      %lt3A_303 = vector.broadcast %lt3A_302 : i32 to vector<16xi32>
      %lt3A_304 = arith.cmpi slt, %xor3A_301, %lt3A_303 : vector<16xi32>
      %add3A_305 = arith.constant 16 : i32
      %add3A_306 = vector.broadcast %add3A_305 : i32 to vector<16xi32>
      %add3A_307 = arith.addi %xor3A_301, %add3A_306 : vector<16xi32>
      %select_n3A_308 = arith.select %lt3A_304, %add3A_307, %xor3A_301 : vector<16xi1>, vector<16xi32>
      %broadcast_in_dim3A_309 = vector.shape_cast %select_n3A_308 : vector<16xi32> to vector<16x1xi32>
      %gather3A_310 = vector.shape_cast %broadcast_in_dim3A_309 : vector<16x1xi32> to vector<16xi32>
      %gather3A_311 = tpu.dynamic_gather %select_n3A_297[%gather3A_310] in [0] : vector<16xf32>, vector<16xi32> -> vector<16xf32>
      %lt3A_312 = arith.constant 0 : i32
      %lt3A_313 = vector.broadcast %lt3A_312 : i32 to vector<16xi32>
      %lt3A_314 = arith.cmpi slt, %xor3A_301, %lt3A_313 : vector<16xi32>
      %add3A_315 = arith.constant 16 : i32
      %add3A_316 = vector.broadcast %add3A_315 : i32 to vector<16xi32>
      %add3A_317 = arith.addi %xor3A_301, %add3A_316 : vector<16xi32>
      %select_n3A_318 = arith.select %lt3A_314, %add3A_317, %xor3A_301 : vector<16xi1>, vector<16xi32>
      %broadcast_in_dim3A_319 = vector.shape_cast %select_n3A_318 : vector<16xi32> to vector<16x1xi32>
      %gather3A_320 = vector.shape_cast %broadcast_in_dim3A_319 : vector<16x1xi32> to vector<16xi32>
      %gather3A_321 = tpu.dynamic_gather %select_n3A_298[%gather3A_320] in [0] : vector<16xi32>, vector<16xi32> -> vector<16xi32>
      %gt3A_322 = arith.cmpf ogt, %gather3A_311, %select_n3A_297 : vector<16xf32>
      %eq3A_323 = arith.cmpf oeq, %gather3A_311, %select_n3A_297 : vector<16xf32>
      %lt3A_324 = arith.cmpi slt, %gather3A_321, %select_n3A_298 : vector<16xi32>
      %and3A_325 = arith.andi %eq3A_323, %lt3A_324 : vector<16xi1>
      %or3A_326 = arith.ori %gt3A_322, %and3A_325 : vector<16xi1>
      %select_n3A_327 = arith.select %or3A_326, %gather3A_311, %select_n3A_297 : vector<16xi1>, vector<16xf32>
      %select_n3A_328 = arith.select %or3A_326, %gather3A_321, %select_n3A_298 : vector<16xi1>, vector<16xi32>
      %eq3A_329 = arith.constant 0 : i32
      %eq3A_330 = vector.broadcast %eq3A_329 : i32 to vector<16xi32>
      %eq3A_331 = arith.cmpi eq, %iota3A, %eq3A_330 : vector<16xi32>
      %select_n3A_332 = arith.select %eq3A_331, %select_n3A_327, %broadcast_in_dim3A_21 : vector<16xi1>, vector<16xf32>
      %eq3A_333 = arith.constant 1 : i32
      %eq3A_334 = vector.broadcast %eq3A_333 : i32 to vector<16xi32>
      %eq3A_335 = arith.cmpi eq, %iota3A, %eq3A_334 : vector<16xi32>
      %gather3A_336 = tpu.vector_load_idx %arg9[%select_n3A_328] : memref<1280xf32, #tpu.memory_space<vmem>>[vector<16xi32>], vector<16xf32>,
      %select_n3A_337 = arith.select %eq3A_335, %gather3A_336, %select_n3A_332 : vector<16xi1>, vector<16xf32>
      %eq3A_338 = arith.constant 2 : i32
      %eq3A_339 = vector.broadcast %eq3A_338 : i32 to vector<16xi32>
      %eq3A_340 = arith.cmpi eq, %iota3A, %eq3A_339 : vector<16xi32>
      %gather3A_341 = tpu.vector_load_idx %arg10[%select_n3A_328] : memref<1280xf32, #tpu.memory_space<vmem>>[vector<16xi32>], vector<16xf32>,
      %select_n3A_342 = arith.select %eq3A_340, %gather3A_341, %select_n3A_337 : vector<16xi1>, vector<16xf32>
      %eq3A_343 = arith.constant 3 : i32
      %eq3A_344 = vector.broadcast %eq3A_343 : i32 to vector<16xi32>
      %eq3A_345 = arith.cmpi eq, %iota3A, %eq3A_344 : vector<16xi32>
      %gather3A_346 = tpu.vector_load_idx %arg11[%select_n3A_328] : memref<1280xf32, #tpu.memory_space<vmem>>[vector<16xi32>], vector<16xf32>,
      %select_n3A_347 = arith.select %eq3A_345, %gather3A_346, %select_n3A_342 : vector<16xi1>, vector<16xf32>
      %eq3A_348 = arith.constant 4 : i32
      %eq3A_349 = vector.broadcast %eq3A_348 : i32 to vector<16xi32>
      %eq3A_350 = arith.cmpi eq, %iota3A, %eq3A_349 : vector<16xi32>
      %gather3A_351 = tpu.vector_load_idx %arg12[%select_n3A_328] : memref<1280xf32, #tpu.memory_space<vmem>>[vector<16xi32>], vector<16xf32>,
      %select_n3A_352 = arith.select %eq3A_350, %gather3A_351, %select_n3A_347 : vector<16xi1>, vector<16xf32>
      %swap3A_353 = arith.constant 0 : index
      %swap3A_354 = tpu.vector_load %arg13[%swap3A_353] {strides = array<i32>} : memref<16xf32, #tpu.memory_space<vmem>>, vector<16xf32>,
      tpu.vector_store %arg13[%swap3A_353], %select_n3A_352 {strides = array<i32>} : memref<16xf32, #tpu.memory_space<vmem>>, vector<16xf32>,
      %mul3A_355 = arith.constant 256 : i32
      %mul3A_356 = arith.muli %scan3A_200, %mul3A_355 : i32
      %mul3A_357 = arith.constant 16 : i32
      %mul3A_358 = arith.muli %arg1, %mul3A_357 : i32
      %add3A_359 = arith.addi %mul3A_356, %mul3A_358 : i32
      %multiple_of3A_360 = tpu.assume_multiple %add3A_359, 16 : i32
      "tpu.region"() ({
        %run_scoped3A = tpu.sem_alloc : memref<!tpu.dma_semaphore, #tpu.memory_space<semaphore_mem>>
        %dma_start3A_455 = tpu.memref_slice %arg16[%multiple_of3A_360] : memref<2560xf32, #tpu.memory_space<vmem_shared>> -> memref<16xf32, #tpu.memory_space<vmem_shared>>
        %dma_start3A_456 = tpu.memref_slice %arg16[%multiple_of3A_360] : memref<2560xf32, #tpu.memory_space<vmem_shared>> -> memref<16xf32, #tpu.memory_space<vmem_shared>>
        tpu.enqueue_dma source(%arg13 : memref<16xf32, #tpu.memory_space<vmem>>) target(%dma_start3A_456 : memref<16xf32, #tpu.memory_space<vmem_shared>>) target_semaphore(%run_scoped3A : memref<!tpu.dma_semaphore, #tpu.memory_space<semaphore_mem>>)
        %dma_wait3A_457 = tpu.memref_slice %arg16[%multiple_of3A_360] : memref<2560xf32, #tpu.memory_space<vmem_shared>> -> memref<16xf32, #tpu.memory_space<vmem_shared>>
        %dma_wait3A_458 = tpu.memref_slice %arg16[%multiple_of3A_360] : memref<2560xf32, #tpu.memory_space<vmem_shared>> -> memref<16xf32, #tpu.memory_space<vmem_shared>>
        tpu.wait_dma2 semaphore(%run_scoped3A : memref<!tpu.dma_semaphore, #tpu.memory_space<semaphore_mem>>) src(%arg13 : memref<16xf32, #tpu.memory_space<vmem>>) dst(%dma_wait3A_458 : memref<16xf32, #tpu.memory_space<vmem_shared>>)
        tpu.yield
      }) : () -> ()
      %barrier3A_361 = arith.constant 0 : index
      tpu.barrier barrier_id(%barrier3A_361)
      %mul3A_362 = arith.constant 256 : i32
      %mul3A_363 = arith.muli %scan3A_200, %mul3A_362 : i32
      %multiple_of3A_364 = tpu.assume_multiple %mul3A_363, 16 : i32
      "tpu.region"() ({
        %run_scoped3A = tpu.sem_alloc : memref<!tpu.dma_semaphore, #tpu.memory_space<semaphore_mem>>
        %dma_start3A_455 = tpu.memref_slice %arg16[%multiple_of3A_364] : memref<2560xf32, #tpu.memory_space<vmem_shared>> -> memref<256xf32, #tpu.memory_space<vmem_shared>>
        %dma_start3A_456 = tpu.memref_slice %arg16[%multiple_of3A_364] : memref<2560xf32, #tpu.memory_space<vmem_shared>> -> memref<256xf32, #tpu.memory_space<vmem_shared>>
        tpu.enqueue_dma source(%dma_start3A_456 : memref<256xf32, #tpu.memory_space<vmem_shared>>) target(%arg14 : memref<256xf32, #tpu.memory_space<vmem>>) target_semaphore(%run_scoped3A : memref<!tpu.dma_semaphore, #tpu.memory_space<semaphore_mem>>)
        %dma_wait3A_457 = tpu.memref_slice %arg16[%multiple_of3A_364] : memref<2560xf32, #tpu.memory_space<vmem_shared>> -> memref<256xf32, #tpu.memory_space<vmem_shared>>
        %dma_wait3A_458 = tpu.memref_slice %arg16[%multiple_of3A_364] : memref<2560xf32, #tpu.memory_space<vmem_shared>> -> memref<256xf32, #tpu.memory_space<vmem_shared>>
        tpu.wait_dma2 semaphore(%run_scoped3A : memref<!tpu.dma_semaphore, #tpu.memory_space<semaphore_mem>>) src(%dma_wait3A_458 : memref<256xf32, #tpu.memory_space<vmem_shared>>) dst(%arg14 : memref<256xf32, #tpu.memory_space<vmem>>)
        tpu.yield
      }) : () -> ()
      %scan3A_365 = arith.constant 0 : i32
      %scan3A_366 = arith.constant 16 : i32
      %scan3A_367 = arith.addi %scan3A_365, %scan3A_366 : i32
      %scan3A_368 = arith.constant 1 : i32
      %scan3A_369:2 = scf.for %scan3A_455 = %scan3A_365 to %scan3A_367 step %scan3A_368 iter_args(%scan3A_456 = %broadcast_in_dim3A_19, %scan3A_457 = %broadcast_in_dim3A_21) -> (vector<16xf32>, vector<16xf32>)  : i32 {
        %mul3A_458 = arith.constant 16 : i32
        %mul3A_459 = arith.muli %scan3A_455, %mul3A_458 : i32
        %multiple_of3A_460 = tpu.assume_multiple %mul3A_459, 16 : i32
        %get3A = arith.index_cast %multiple_of3A_460 : i32 to index
        %get3A_461 = tpu.vector_load %arg14[%get3A] {strides = array<i32>} : memref<256xf32, #tpu.memory_space<vmem>>, vector<16xf32>,
        %mul3A_462 = arith.constant 0 : i32
        %mul3A_463 = vector.broadcast %mul3A_462 : i32 to vector<16xi32>
        %mul3A_464 = arith.muli %iota3A, %mul3A_463 : vector<16xi32>
        %lt3A_465 = arith.constant 0 : i32
        %lt3A_466 = vector.broadcast %lt3A_465 : i32 to vector<16xi32>
        %lt3A_467 = arith.cmpi slt, %mul3A_464, %lt3A_466 : vector<16xi32>
        %add3A_468 = arith.constant 16 : i32
        %add3A_469 = vector.broadcast %add3A_468 : i32 to vector<16xi32>
        %add3A_470 = arith.addi %mul3A_464, %add3A_469 : vector<16xi32>
        %select_n3A_471 = arith.select %lt3A_467, %add3A_470, %mul3A_464 : vector<16xi1>, vector<16xi32>
        %broadcast_in_dim3A_472 = vector.shape_cast %select_n3A_471 : vector<16xi32> to vector<16x1xi32>
        %gather3A_473 = vector.shape_cast %broadcast_in_dim3A_472 : vector<16x1xi32> to vector<16xi32>
        %gather3A_474 = tpu.dynamic_gather %get3A_461[%gather3A_473] in [0] : vector<16xf32>, vector<16xi32> -> vector<16xf32>
        %gt3A_475 = arith.cmpf ogt, %gather3A_474, %scan3A_456 : vector<16xf32>
        %select_n3A_476 = arith.select %gt3A_475, %gather3A_474, %scan3A_456 : vector<16xi1>, vector<16xf32>
        %select_n3A_477 = arith.select %gt3A_475, %get3A_461, %scan3A_457 : vector<16xi1>, vector<16xf32>
        scf.yield %select_n3A_476, %select_n3A_477 : vector<16xf32>, vector<16xf32>
      }
      %scan3A_370 = arith.constant 16 : i32
      %eq3A_371 = arith.cmpf oeq, %scan3A_369#0, %broadcast_in_dim3A_19 : vector<16xf32>
      %select_n3A_372 = arith.select %eq3A_371, %scan3A_204, %scan3A_369#1 : vector<16xi1>, vector<16xf32>
      %eq3A_373 = arith.constant 0 : i32
      %eq3A_374 = arith.cmpi eq, %scan3A_200, %eq3A_373 : i32
      %broadcast_in_dim3A_375 = vector.broadcast %eq3A_374 : i1 to vector<16xi1>
      %select_n3A_376 = arith.select %broadcast_in_dim3A_375, %scan3A_369#0, %scan3A_203 : vector<16xi1>, vector<16xf32>
      %select_n3A_377 = arith.select %broadcast_in_dim3A_375, %select_n3A_372, %scan3A_204 : vector<16xi1>, vector<16xf32>
      %mul3A_378 = arith.constant 5 : i32
      %mul3A_379 = arith.muli %scan3A_200, %mul3A_378 : i32
      %add3A_380 = vector.broadcast %mul3A_379 : i32 to vector<16xi32>
      %add3A_381 = arith.addi %add3A_380, %iota3A : vector<16xi32>
      %lt3A_382 = arith.constant 5 : i32
      %lt3A_383 = vector.broadcast %lt3A_382 : i32 to vector<16xi32>
      %lt3A_384 = arith.cmpi slt, %iota3A, %lt3A_383 : vector<16xi32>
      tpu.vector_store_idx %arg15[%add3A_381], %select_n3A_372 masked %lt3A_384 : memref<50xf32, #tpu.memory_space<vmem>>[vector<16xi32>], vector<16xf32>, vector<16xi1>
      %mul3A_385 = arith.constant 0 : i32
      %mul3A_386 = vector.broadcast %mul3A_385 : i32 to vector<16xi32>
      %mul3A_387 = arith.muli %iota3A, %mul3A_386 : vector<16xi32>
      %add3A_388 = arith.constant 1 : i32
      %add3A_389 = vector.broadcast %add3A_388 : i32 to vector<16xi32>
      %add3A_390 = arith.addi %mul3A_387, %add3A_389 : vector<16xi32>
      %lt3A_391 = arith.constant 0 : i32
      %lt3A_392 = vector.broadcast %lt3A_391 : i32 to vector<16xi32>
      %lt3A_393 = arith.cmpi slt, %add3A_390, %lt3A_392 : vector<16xi32>
      %add3A_394 = arith.constant 16 : i32
      %add3A_395 = vector.broadcast %add3A_394 : i32 to vector<16xi32>
      %add3A_396 = arith.addi %add3A_390, %add3A_395 : vector<16xi32>
      %select_n3A_397 = arith.select %lt3A_393, %add3A_396, %add3A_390 : vector<16xi1>, vector<16xi32>
      %broadcast_in_dim3A_398 = vector.shape_cast %select_n3A_397 : vector<16xi32> to vector<16x1xi32>
      %gather3A_399 = vector.shape_cast %broadcast_in_dim3A_398 : vector<16x1xi32> to vector<16xi32>
      %gather3A_400 = tpu.dynamic_gather %select_n3A_372[%gather3A_399] in [0] : vector<16xf32>, vector<16xi32> -> vector<16xf32>
      %mul3A_401 = arith.constant 0 : i32
      %mul3A_402 = vector.broadcast %mul3A_401 : i32 to vector<16xi32>
      %mul3A_403 = arith.muli %iota3A, %mul3A_402 : vector<16xi32>
      %add3A_404 = arith.constant 2 : i32
      %add3A_405 = vector.broadcast %add3A_404 : i32 to vector<16xi32>
      %add3A_406 = arith.addi %mul3A_403, %add3A_405 : vector<16xi32>
      %lt3A_407 = arith.constant 0 : i32
      %lt3A_408 = vector.broadcast %lt3A_407 : i32 to vector<16xi32>
      %lt3A_409 = arith.cmpi slt, %add3A_406, %lt3A_408 : vector<16xi32>
      %add3A_410 = arith.constant 16 : i32
      %add3A_411 = vector.broadcast %add3A_410 : i32 to vector<16xi32>
      %add3A_412 = arith.addi %add3A_406, %add3A_411 : vector<16xi32>
      %select_n3A_413 = arith.select %lt3A_409, %add3A_412, %add3A_406 : vector<16xi1>, vector<16xi32>
      %broadcast_in_dim3A_414 = vector.shape_cast %select_n3A_413 : vector<16xi32> to vector<16x1xi32>
      %gather3A_415 = vector.shape_cast %broadcast_in_dim3A_414 : vector<16x1xi32> to vector<16xi32>
      %gather3A_416 = tpu.dynamic_gather %select_n3A_372[%gather3A_415] in [0] : vector<16xf32>, vector<16xi32> -> vector<16xf32>
      %mul3A_417 = arith.constant 0 : i32
      %mul3A_418 = vector.broadcast %mul3A_417 : i32 to vector<16xi32>
      %mul3A_419 = arith.muli %iota3A, %mul3A_418 : vector<16xi32>
      %add3A_420 = arith.constant 3 : i32
      %add3A_421 = vector.broadcast %add3A_420 : i32 to vector<16xi32>
      %add3A_422 = arith.addi %mul3A_419, %add3A_421 : vector<16xi32>
      %lt3A_423 = arith.constant 0 : i32
      %lt3A_424 = vector.broadcast %lt3A_423 : i32 to vector<16xi32>
      %lt3A_425 = arith.cmpi slt, %add3A_422, %lt3A_424 : vector<16xi32>
      %add3A_426 = arith.constant 16 : i32
      %add3A_427 = vector.broadcast %add3A_426 : i32 to vector<16xi32>
      %add3A_428 = arith.addi %add3A_422, %add3A_427 : vector<16xi32>
      %select_n3A_429 = arith.select %lt3A_425, %add3A_428, %add3A_422 : vector<16xi1>, vector<16xi32>
      %broadcast_in_dim3A_430 = vector.shape_cast %select_n3A_429 : vector<16xi32> to vector<16x1xi32>
      %gather3A_431 = vector.shape_cast %broadcast_in_dim3A_430 : vector<16x1xi32> to vector<16xi32>
      %gather3A_432 = tpu.dynamic_gather %select_n3A_372[%gather3A_431] in [0] : vector<16xf32>, vector<16xi32> -> vector<16xf32>
      %mul3A_433 = arith.constant 0 : i32
      %mul3A_434 = vector.broadcast %mul3A_433 : i32 to vector<16xi32>
      %mul3A_435 = arith.muli %iota3A, %mul3A_434 : vector<16xi32>
      %add3A_436 = arith.constant 4 : i32
      %add3A_437 = vector.broadcast %add3A_436 : i32 to vector<16xi32>
      %add3A_438 = arith.addi %mul3A_435, %add3A_437 : vector<16xi32>
      %lt3A_439 = arith.constant 0 : i32
      %lt3A_440 = vector.broadcast %lt3A_439 : i32 to vector<16xi32>
      %lt3A_441 = arith.cmpi slt, %add3A_438, %lt3A_440 : vector<16xi32>
      %add3A_442 = arith.constant 16 : i32
      %add3A_443 = vector.broadcast %add3A_442 : i32 to vector<16xi32>
      %add3A_444 = arith.addi %add3A_438, %add3A_443 : vector<16xi32>
      %select_n3A_445 = arith.select %lt3A_441, %add3A_444, %add3A_438 : vector<16xi1>, vector<16xi32>
      %broadcast_in_dim3A_446 = vector.shape_cast %select_n3A_445 : vector<16xi32> to vector<16x1xi32>
      %gather3A_447 = vector.shape_cast %broadcast_in_dim3A_446 : vector<16x1xi32> to vector<16xi32>
      %gather3A_448 = tpu.dynamic_gather %select_n3A_372[%gather3A_447] in [0] : vector<16xf32>, vector<16xi32> -> vector<16xf32>
      %sub3A = arith.subf %gather3A_432, %gather3A_400 : vector<16xf32>
      %sub3A_449 = arith.subf %gather3A_448, %gather3A_416 : vector<16xf32>
      %mul3A_450 = arith.mulf %sub3A, %sub3A_449 : vector<16xf32>
      %parallel_loop3A_451 = arith.constant 0 : i32
      %parallel_loop3A_452 = arith.constant 80 : i32
      %parallel_loop3A_453 = arith.constant 1 : i32
      %parallel_loop3A_454:2 = scf.for %parallel_loop3A_455 = %parallel_loop3A_451 to %parallel_loop3A_452 step %parallel_loop3A_453 iter_args(%parallel_loop3A_456 = %broadcast_in_dim3A_19, %parallel_loop3A_457 = %broadcast_in_dim3A_23) -> (vector<16xf32>, vector<16xi32>)  : i32 {
        %parallel_loop3A_458 = arith.constant 16 : i32
        %parallel_loop3A_459 = arith.muli %parallel_loop3A_455, %parallel_loop3A_458 : i32
        %parallel_loop3A_460 = tpu.assume_multiple %parallel_loop3A_459, 16 : i32
        %parallel_loop3A_461 = arith.index_cast %parallel_loop3A_460 : i32 to index
        %parallel_loop3A_462 = tpu.vector_load %arg9[%parallel_loop3A_461] {strides = array<i32>} : memref<1280xf32, #tpu.memory_space<vmem>>, vector<16xf32>,
        %parallel_loop3A_463 = arith.index_cast %parallel_loop3A_460 : i32 to index
        %parallel_loop3A_464 = tpu.vector_load %arg10[%parallel_loop3A_463] {strides = array<i32>} : memref<1280xf32, #tpu.memory_space<vmem>>, vector<16xf32>,
        %parallel_loop3A_465 = arith.index_cast %parallel_loop3A_460 : i32 to index
        %parallel_loop3A_466 = tpu.vector_load %arg11[%parallel_loop3A_465] {strides = array<i32>} : memref<1280xf32, #tpu.memory_space<vmem>>, vector<16xf32>,
        %parallel_loop3A_467 = arith.index_cast %parallel_loop3A_460 : i32 to index
        %parallel_loop3A_468 = tpu.vector_load %arg12[%parallel_loop3A_467] {strides = array<i32>} : memref<1280xf32, #tpu.memory_space<vmem>>, vector<16xf32>,
        %parallel_loop3A_469 = arith.index_cast %parallel_loop3A_460 : i32 to index
        %parallel_loop3A_470 = tpu.vector_load %arg8[%parallel_loop3A_469] {strides = array<i32>} : memref<1280xf32, #tpu.memory_space<vmem>>, vector<16xf32>,
        %parallel_loop3A_471 = arith.minimumf %parallel_loop3A_466, %gather3A_432 : vector<16xf32>
        %parallel_loop3A_472 = arith.maximumf %parallel_loop3A_462, %gather3A_400 : vector<16xf32>
        %parallel_loop3A_473 = arith.subf %parallel_loop3A_471, %parallel_loop3A_472 : vector<16xf32>
        %parallel_loop3A_474 = arith.minimumf %parallel_loop3A_468, %gather3A_448 : vector<16xf32>
        %parallel_loop3A_475 = arith.maximumf %parallel_loop3A_464, %gather3A_416 : vector<16xf32>
        %parallel_loop3A_476 = arith.subf %parallel_loop3A_474, %parallel_loop3A_475 : vector<16xf32>
        %parallel_loop3A_477 = arith.constant 0.000000e+00 : f32
        %parallel_loop3A_478 = vector.broadcast %parallel_loop3A_477 : f32 to vector<16xf32>
        %parallel_loop3A_479 = arith.cmpf olt, %parallel_loop3A_473, %parallel_loop3A_478 : vector<16xf32>
        %parallel_loop3A_480 = arith.constant 0.000000e+00 : f32
        %parallel_loop3A_481 = vector.broadcast %parallel_loop3A_480 : f32 to vector<16xf32>
        %parallel_loop3A_482 = arith.cmpf olt, %parallel_loop3A_476, %parallel_loop3A_481 : vector<16xf32>
        %parallel_loop3A_483 = arith.ori %parallel_loop3A_479, %parallel_loop3A_482 : vector<16xi1>
        %parallel_loop3A_484 = arith.mulf %parallel_loop3A_473, %parallel_loop3A_476 : vector<16xf32>
        %parallel_loop3A_485 = arith.constant 0.000000e+00 : f32
        %parallel_loop3A_486 = vector.broadcast %parallel_loop3A_485 : f32 to vector<16xf32>
        %parallel_loop3A_487 = arith.select %parallel_loop3A_483, %parallel_loop3A_486, %parallel_loop3A_484 : vector<16xi1>, vector<16xf32>
        %parallel_loop3A_488 = arith.subf %parallel_loop3A_466, %parallel_loop3A_462 : vector<16xf32>
        %parallel_loop3A_489 = arith.subf %parallel_loop3A_468, %parallel_loop3A_464 : vector<16xf32>
        %parallel_loop3A_490 = arith.mulf %parallel_loop3A_488, %parallel_loop3A_489 : vector<16xf32>
        %parallel_loop3A_491 = arith.addf %parallel_loop3A_490, %mul3A_450 : vector<16xf32>
        %parallel_loop3A_492 = arith.subf %parallel_loop3A_491, %parallel_loop3A_487 : vector<16xf32>
        %parallel_loop3A_493 = arith.divf %parallel_loop3A_487, %parallel_loop3A_492 : vector<16xf32>
        %parallel_loop3A_494 = arith.constant 2.500000e-01 : f32
        %parallel_loop3A_495 = vector.broadcast %parallel_loop3A_494 : f32 to vector<16xf32>
        %parallel_loop3A_496 = arith.cmpf olt, %parallel_loop3A_493, %parallel_loop3A_495 : vector<16xf32>
        %parallel_loop3A_497 = arith.select %parallel_loop3A_496, %parallel_loop3A_470, %broadcast_in_dim3A_19 : vector<16xi1>, vector<16xf32>
        %parallel_loop3A_498 = arith.index_cast %parallel_loop3A_460 : i32 to index
        %parallel_loop3A_499 = tpu.vector_load %arg8[%parallel_loop3A_498] {strides = array<i32>} : memref<1280xf32, #tpu.memory_space<vmem>>, vector<16xf32>,
        tpu.vector_store %arg8[%parallel_loop3A_498], %parallel_loop3A_497 {strides = array<i32>} : memref<1280xf32, #tpu.memory_space<vmem>>, vector<16xf32>,
        %parallel_loop3A_500 = arith.cmpf ogt, %parallel_loop3A_497, %parallel_loop3A_456 : vector<16xf32>
        %parallel_loop3A_501 = arith.select %parallel_loop3A_500, %parallel_loop3A_497, %parallel_loop3A_456 : vector<16xi1>, vector<16xf32>
        %parallel_loop3A_502 = vector.broadcast %parallel_loop3A_455 : i32 to vector<16xi32>
        %parallel_loop3A_503 = arith.select %parallel_loop3A_500, %parallel_loop3A_502, %parallel_loop3A_457 : vector<16xi1>, vector<16xi32>
        scf.yield %parallel_loop3A_501, %parallel_loop3A_503 : vector<16xf32>, vector<16xi32>
      } {sc.loop_unroll_factor = 4 : i64, sc.parallel_access}
      scf.yield %parallel_loop3A_454#0, %parallel_loop3A_454#1, %select_n3A_376, %select_n3A_377 : vector<16xf32>, vector<16xi32>, vector<16xf32>, vector<16xf32>
    }
    %scan3A_31 = arith.constant 9 : i32
    %mul3A_32 = arith.constant 16 : i32
    %mul3A_33 = vector.broadcast %mul3A_32 : i32 to vector<16xi32>
    %mul3A_34 = arith.muli %scan3A_30#1, %mul3A_33 : vector<16xi32>
    %add3A = arith.addi %mul3A_34, %iota3A : vector<16xi32>
    %xor3A = arith.constant 8 : i32
    %xor3A_35 = vector.broadcast %xor3A : i32 to vector<16xi32>
    %xor3A_36 = arith.xori %iota3A, %xor3A_35 : vector<16xi32>
    %lt3A = arith.constant 0 : i32
    %lt3A_37 = vector.broadcast %lt3A : i32 to vector<16xi32>
    %lt3A_38 = arith.cmpi slt, %xor3A_36, %lt3A_37 : vector<16xi32>
    %add3A_39 = arith.constant 16 : i32
    %add3A_40 = vector.broadcast %add3A_39 : i32 to vector<16xi32>
    %add3A_41 = arith.addi %xor3A_36, %add3A_40 : vector<16xi32>
    %select_n3A = arith.select %lt3A_38, %add3A_41, %xor3A_36 : vector<16xi1>, vector<16xi32>
    %broadcast_in_dim3A_42 = vector.shape_cast %select_n3A : vector<16xi32> to vector<16x1xi32>
    %gather3A = vector.shape_cast %broadcast_in_dim3A_42 : vector<16x1xi32> to vector<16xi32>
    %gather3A_43 = tpu.dynamic_gather %scan3A_30#0[%gather3A] in [0] : vector<16xf32>, vector<16xi32> -> vector<16xf32>
    %lt3A_44 = arith.constant 0 : i32
    %lt3A_45 = vector.broadcast %lt3A_44 : i32 to vector<16xi32>
    %lt3A_46 = arith.cmpi slt, %xor3A_36, %lt3A_45 : vector<16xi32>
    %add3A_47 = arith.constant 16 : i32
    %add3A_48 = vector.broadcast %add3A_47 : i32 to vector<16xi32>
    %add3A_49 = arith.addi %xor3A_36, %add3A_48 : vector<16xi32>
    %select_n3A_50 = arith.select %lt3A_46, %add3A_49, %xor3A_36 : vector<16xi1>, vector<16xi32>
    %broadcast_in_dim3A_51 = vector.shape_cast %select_n3A_50 : vector<16xi32> to vector<16x1xi32>
    %gather3A_52 = vector.shape_cast %broadcast_in_dim3A_51 : vector<16x1xi32> to vector<16xi32>
    %gather3A_53 = tpu.dynamic_gather %add3A[%gather3A_52] in [0] : vector<16xi32>, vector<16xi32> -> vector<16xi32>
    %gt3A = arith.cmpf ogt, %gather3A_43, %scan3A_30#0 : vector<16xf32>
    %eq3A = arith.cmpf oeq, %gather3A_43, %scan3A_30#0 : vector<16xf32>
    %lt3A_54 = arith.cmpi slt, %gather3A_53, %add3A : vector<16xi32>
    %and3A = arith.andi %eq3A, %lt3A_54 : vector<16xi1>
    %or3A = arith.ori %gt3A, %and3A : vector<16xi1>
    %select_n3A_55 = arith.select %or3A, %gather3A_43, %scan3A_30#0 : vector<16xi1>, vector<16xf32>
    %select_n3A_56 = arith.select %or3A, %gather3A_53, %add3A : vector<16xi1>, vector<16xi32>
    %xor3A_57 = arith.constant 4 : i32
    %xor3A_58 = vector.broadcast %xor3A_57 : i32 to vector<16xi32>
    %xor3A_59 = arith.xori %iota3A, %xor3A_58 : vector<16xi32>
    %lt3A_60 = arith.constant 0 : i32
    %lt3A_61 = vector.broadcast %lt3A_60 : i32 to vector<16xi32>
    %lt3A_62 = arith.cmpi slt, %xor3A_59, %lt3A_61 : vector<16xi32>
    %add3A_63 = arith.constant 16 : i32
    %add3A_64 = vector.broadcast %add3A_63 : i32 to vector<16xi32>
    %add3A_65 = arith.addi %xor3A_59, %add3A_64 : vector<16xi32>
    %select_n3A_66 = arith.select %lt3A_62, %add3A_65, %xor3A_59 : vector<16xi1>, vector<16xi32>
    %broadcast_in_dim3A_67 = vector.shape_cast %select_n3A_66 : vector<16xi32> to vector<16x1xi32>
    %gather3A_68 = vector.shape_cast %broadcast_in_dim3A_67 : vector<16x1xi32> to vector<16xi32>
    %gather3A_69 = tpu.dynamic_gather %select_n3A_55[%gather3A_68] in [0] : vector<16xf32>, vector<16xi32> -> vector<16xf32>
    %lt3A_70 = arith.constant 0 : i32
    %lt3A_71 = vector.broadcast %lt3A_70 : i32 to vector<16xi32>
    %lt3A_72 = arith.cmpi slt, %xor3A_59, %lt3A_71 : vector<16xi32>
    %add3A_73 = arith.constant 16 : i32
    %add3A_74 = vector.broadcast %add3A_73 : i32 to vector<16xi32>
    %add3A_75 = arith.addi %xor3A_59, %add3A_74 : vector<16xi32>
    %select_n3A_76 = arith.select %lt3A_72, %add3A_75, %xor3A_59 : vector<16xi1>, vector<16xi32>
    %broadcast_in_dim3A_77 = vector.shape_cast %select_n3A_76 : vector<16xi32> to vector<16x1xi32>
    %gather3A_78 = vector.shape_cast %broadcast_in_dim3A_77 : vector<16x1xi32> to vector<16xi32>
    %gather3A_79 = tpu.dynamic_gather %select_n3A_56[%gather3A_78] in [0] : vector<16xi32>, vector<16xi32> -> vector<16xi32>
    %gt3A_80 = arith.cmpf ogt, %gather3A_69, %select_n3A_55 : vector<16xf32>
    %eq3A_81 = arith.cmpf oeq, %gather3A_69, %select_n3A_55 : vector<16xf32>
    %lt3A_82 = arith.cmpi slt, %gather3A_79, %select_n3A_56 : vector<16xi32>
    %and3A_83 = arith.andi %eq3A_81, %lt3A_82 : vector<16xi1>
    %or3A_84 = arith.ori %gt3A_80, %and3A_83 : vector<16xi1>
    %select_n3A_85 = arith.select %or3A_84, %gather3A_69, %select_n3A_55 : vector<16xi1>, vector<16xf32>
    %select_n3A_86 = arith.select %or3A_84, %gather3A_79, %select_n3A_56 : vector<16xi1>, vector<16xi32>
    %xor3A_87 = arith.constant 2 : i32
    %xor3A_88 = vector.broadcast %xor3A_87 : i32 to vector<16xi32>
    %xor3A_89 = arith.xori %iota3A, %xor3A_88 : vector<16xi32>
    %lt3A_90 = arith.constant 0 : i32
    %lt3A_91 = vector.broadcast %lt3A_90 : i32 to vector<16xi32>
    %lt3A_92 = arith.cmpi slt, %xor3A_89, %lt3A_91 : vector<16xi32>
    %add3A_93 = arith.constant 16 : i32
    %add3A_94 = vector.broadcast %add3A_93 : i32 to vector<16xi32>
    %add3A_95 = arith.addi %xor3A_89, %add3A_94 : vector<16xi32>
    %select_n3A_96 = arith.select %lt3A_92, %add3A_95, %xor3A_89 : vector<16xi1>, vector<16xi32>
    %broadcast_in_dim3A_97 = vector.shape_cast %select_n3A_96 : vector<16xi32> to vector<16x1xi32>
    %gather3A_98 = vector.shape_cast %broadcast_in_dim3A_97 : vector<16x1xi32> to vector<16xi32>
    %gather3A_99 = tpu.dynamic_gather %select_n3A_85[%gather3A_98] in [0] : vector<16xf32>, vector<16xi32> -> vector<16xf32>
    %lt3A_100 = arith.constant 0 : i32
    %lt3A_101 = vector.broadcast %lt3A_100 : i32 to vector<16xi32>
    %lt3A_102 = arith.cmpi slt, %xor3A_89, %lt3A_101 : vector<16xi32>
    %add3A_103 = arith.constant 16 : i32
    %add3A_104 = vector.broadcast %add3A_103 : i32 to vector<16xi32>
    %add3A_105 = arith.addi %xor3A_89, %add3A_104 : vector<16xi32>
    %select_n3A_106 = arith.select %lt3A_102, %add3A_105, %xor3A_89 : vector<16xi1>, vector<16xi32>
    %broadcast_in_dim3A_107 = vector.shape_cast %select_n3A_106 : vector<16xi32> to vector<16x1xi32>
    %gather3A_108 = vector.shape_cast %broadcast_in_dim3A_107 : vector<16x1xi32> to vector<16xi32>
    %gather3A_109 = tpu.dynamic_gather %select_n3A_86[%gather3A_108] in [0] : vector<16xi32>, vector<16xi32> -> vector<16xi32>
    %gt3A_110 = arith.cmpf ogt, %gather3A_99, %select_n3A_85 : vector<16xf32>
    %eq3A_111 = arith.cmpf oeq, %gather3A_99, %select_n3A_85 : vector<16xf32>
    %lt3A_112 = arith.cmpi slt, %gather3A_109, %select_n3A_86 : vector<16xi32>
    %and3A_113 = arith.andi %eq3A_111, %lt3A_112 : vector<16xi1>
    %or3A_114 = arith.ori %gt3A_110, %and3A_113 : vector<16xi1>
    %select_n3A_115 = arith.select %or3A_114, %gather3A_99, %select_n3A_85 : vector<16xi1>, vector<16xf32>
    %select_n3A_116 = arith.select %or3A_114, %gather3A_109, %select_n3A_86 : vector<16xi1>, vector<16xi32>
    %xor3A_117 = arith.constant 1 : i32
    %xor3A_118 = vector.broadcast %xor3A_117 : i32 to vector<16xi32>
    %xor3A_119 = arith.xori %iota3A, %xor3A_118 : vector<16xi32>
    %lt3A_120 = arith.constant 0 : i32
    %lt3A_121 = vector.broadcast %lt3A_120 : i32 to vector<16xi32>
    %lt3A_122 = arith.cmpi slt, %xor3A_119, %lt3A_121 : vector<16xi32>
    %add3A_123 = arith.constant 16 : i32
    %add3A_124 = vector.broadcast %add3A_123 : i32 to vector<16xi32>
    %add3A_125 = arith.addi %xor3A_119, %add3A_124 : vector<16xi32>
    %select_n3A_126 = arith.select %lt3A_122, %add3A_125, %xor3A_119 : vector<16xi1>, vector<16xi32>
    %broadcast_in_dim3A_127 = vector.shape_cast %select_n3A_126 : vector<16xi32> to vector<16x1xi32>
    %gather3A_128 = vector.shape_cast %broadcast_in_dim3A_127 : vector<16x1xi32> to vector<16xi32>
    %gather3A_129 = tpu.dynamic_gather %select_n3A_115[%gather3A_128] in [0] : vector<16xf32>, vector<16xi32> -> vector<16xf32>
    %lt3A_130 = arith.constant 0 : i32
    %lt3A_131 = vector.broadcast %lt3A_130 : i32 to vector<16xi32>
    %lt3A_132 = arith.cmpi slt, %xor3A_119, %lt3A_131 : vector<16xi32>
    %add3A_133 = arith.constant 16 : i32
    %add3A_134 = vector.broadcast %add3A_133 : i32 to vector<16xi32>
    %add3A_135 = arith.addi %xor3A_119, %add3A_134 : vector<16xi32>
    %select_n3A_136 = arith.select %lt3A_132, %add3A_135, %xor3A_119 : vector<16xi1>, vector<16xi32>
    %broadcast_in_dim3A_137 = vector.shape_cast %select_n3A_136 : vector<16xi32> to vector<16x1xi32>
    %gather3A_138 = vector.shape_cast %broadcast_in_dim3A_137 : vector<16x1xi32> to vector<16xi32>
    %gather3A_139 = tpu.dynamic_gather %select_n3A_116[%gather3A_138] in [0] : vector<16xi32>, vector<16xi32> -> vector<16xi32>
    %gt3A_140 = arith.cmpf ogt, %gather3A_129, %select_n3A_115 : vector<16xf32>
    %eq3A_141 = arith.cmpf oeq, %gather3A_129, %select_n3A_115 : vector<16xf32>
    %lt3A_142 = arith.cmpi slt, %gather3A_139, %select_n3A_116 : vector<16xi32>
    %and3A_143 = arith.andi %eq3A_141, %lt3A_142 : vector<16xi1>
    %or3A_144 = arith.ori %gt3A_140, %and3A_143 : vector<16xi1>
    %select_n3A_145 = arith.select %or3A_144, %gather3A_129, %select_n3A_115 : vector<16xi1>, vector<16xf32>
    %select_n3A_146 = arith.select %or3A_144, %gather3A_139, %select_n3A_116 : vector<16xi1>, vector<16xi32>
    %eq3A_147 = arith.constant 0 : i32
    %eq3A_148 = vector.broadcast %eq3A_147 : i32 to vector<16xi32>
    %eq3A_149 = arith.cmpi eq, %iota3A, %eq3A_148 : vector<16xi32>
    %select_n3A_150 = arith.select %eq3A_149, %select_n3A_145, %broadcast_in_dim3A_21 : vector<16xi1>, vector<16xf32>
    %eq3A_151 = arith.constant 1 : i32
    %eq3A_152 = vector.broadcast %eq3A_151 : i32 to vector<16xi32>
    %eq3A_153 = arith.cmpi eq, %iota3A, %eq3A_152 : vector<16xi32>
    %gather3A_154 = tpu.vector_load_idx %arg9[%select_n3A_146] : memref<1280xf32, #tpu.memory_space<vmem>>[vector<16xi32>], vector<16xf32>,
    %select_n3A_155 = arith.select %eq3A_153, %gather3A_154, %select_n3A_150 : vector<16xi1>, vector<16xf32>
    %eq3A_156 = arith.constant 2 : i32
    %eq3A_157 = vector.broadcast %eq3A_156 : i32 to vector<16xi32>
    %eq3A_158 = arith.cmpi eq, %iota3A, %eq3A_157 : vector<16xi32>
    %gather3A_159 = tpu.vector_load_idx %arg10[%select_n3A_146] : memref<1280xf32, #tpu.memory_space<vmem>>[vector<16xi32>], vector<16xf32>,
    %select_n3A_160 = arith.select %eq3A_158, %gather3A_159, %select_n3A_155 : vector<16xi1>, vector<16xf32>
    %eq3A_161 = arith.constant 3 : i32
    %eq3A_162 = vector.broadcast %eq3A_161 : i32 to vector<16xi32>
    %eq3A_163 = arith.cmpi eq, %iota3A, %eq3A_162 : vector<16xi32>
    %gather3A_164 = tpu.vector_load_idx %arg11[%select_n3A_146] : memref<1280xf32, #tpu.memory_space<vmem>>[vector<16xi32>], vector<16xf32>,
    %select_n3A_165 = arith.select %eq3A_163, %gather3A_164, %select_n3A_160 : vector<16xi1>, vector<16xf32>
    %eq3A_166 = arith.constant 4 : i32
    %eq3A_167 = vector.broadcast %eq3A_166 : i32 to vector<16xi32>
    %eq3A_168 = arith.cmpi eq, %iota3A, %eq3A_167 : vector<16xi32>
    %gather3A_169 = tpu.vector_load_idx %arg12[%select_n3A_146] : memref<1280xf32, #tpu.memory_space<vmem>>[vector<16xi32>], vector<16xf32>,
    %select_n3A_170 = arith.select %eq3A_168, %gather3A_169, %select_n3A_165 : vector<16xi1>, vector<16xf32>
    %swap3A = arith.constant 0 : index
    %swap3A_171 = tpu.vector_load %arg13[%swap3A] {strides = array<i32>} : memref<16xf32, #tpu.memory_space<vmem>>, vector<16xf32>,
    tpu.vector_store %arg13[%swap3A], %select_n3A_170 {strides = array<i32>} : memref<16xf32, #tpu.memory_space<vmem>>, vector<16xf32>,
    %mul3A_172 = arith.constant 16 : i32
    %mul3A_173 = arith.muli %arg1, %mul3A_172 : i32
    %add3A_174 = arith.constant 2304 : i32
    %add3A_175 = arith.addi %add3A_174, %mul3A_173 : i32
    %multiple_of3A_176 = tpu.assume_multiple %add3A_175, 16 : i32
    "tpu.region"() ({
      %run_scoped3A = tpu.sem_alloc : memref<!tpu.dma_semaphore, #tpu.memory_space<semaphore_mem>>
      %dma_start3A_200 = tpu.memref_slice %arg16[%multiple_of3A_176] : memref<2560xf32, #tpu.memory_space<vmem_shared>> -> memref<16xf32, #tpu.memory_space<vmem_shared>>
      %dma_start3A_201 = tpu.memref_slice %arg16[%multiple_of3A_176] : memref<2560xf32, #tpu.memory_space<vmem_shared>> -> memref<16xf32, #tpu.memory_space<vmem_shared>>
      tpu.enqueue_dma source(%arg13 : memref<16xf32, #tpu.memory_space<vmem>>) target(%dma_start3A_201 : memref<16xf32, #tpu.memory_space<vmem_shared>>) target_semaphore(%run_scoped3A : memref<!tpu.dma_semaphore, #tpu.memory_space<semaphore_mem>>)
      %dma_wait3A_202 = tpu.memref_slice %arg16[%multiple_of3A_176] : memref<2560xf32, #tpu.memory_space<vmem_shared>> -> memref<16xf32, #tpu.memory_space<vmem_shared>>
      %dma_wait3A_203 = tpu.memref_slice %arg16[%multiple_of3A_176] : memref<2560xf32, #tpu.memory_space<vmem_shared>> -> memref<16xf32, #tpu.memory_space<vmem_shared>>
      tpu.wait_dma2 semaphore(%run_scoped3A : memref<!tpu.dma_semaphore, #tpu.memory_space<semaphore_mem>>) src(%arg13 : memref<16xf32, #tpu.memory_space<vmem>>) dst(%dma_wait3A_203 : memref<16xf32, #tpu.memory_space<vmem_shared>>)
      tpu.yield
    }) : () -> ()
    %barrier3A = arith.constant 0 : index
    tpu.barrier barrier_id(%barrier3A)
    %multiple_of3A_177 = arith.constant 2304 : i32
    %multiple_of3A_178 = tpu.assume_multiple %multiple_of3A_177, 16 : i32
    "tpu.region"() ({
      %run_scoped3A = tpu.sem_alloc : memref<!tpu.dma_semaphore, #tpu.memory_space<semaphore_mem>>
      %dma_start3A_200 = tpu.memref_slice %arg16[%multiple_of3A_178] : memref<2560xf32, #tpu.memory_space<vmem_shared>> -> memref<256xf32, #tpu.memory_space<vmem_shared>>
      %dma_start3A_201 = tpu.memref_slice %arg16[%multiple_of3A_178] : memref<2560xf32, #tpu.memory_space<vmem_shared>> -> memref<256xf32, #tpu.memory_space<vmem_shared>>
      tpu.enqueue_dma source(%dma_start3A_201 : memref<256xf32, #tpu.memory_space<vmem_shared>>) target(%arg14 : memref<256xf32, #tpu.memory_space<vmem>>) target_semaphore(%run_scoped3A : memref<!tpu.dma_semaphore, #tpu.memory_space<semaphore_mem>>)
      %dma_wait3A_202 = tpu.memref_slice %arg16[%multiple_of3A_178] : memref<2560xf32, #tpu.memory_space<vmem_shared>> -> memref<256xf32, #tpu.memory_space<vmem_shared>>
      %dma_wait3A_203 = tpu.memref_slice %arg16[%multiple_of3A_178] : memref<2560xf32, #tpu.memory_space<vmem_shared>> -> memref<256xf32, #tpu.memory_space<vmem_shared>>
      tpu.wait_dma2 semaphore(%run_scoped3A : memref<!tpu.dma_semaphore, #tpu.memory_space<semaphore_mem>>) src(%dma_wait3A_203 : memref<256xf32, #tpu.memory_space<vmem_shared>>) dst(%arg14 : memref<256xf32, #tpu.memory_space<vmem>>)
      tpu.yield
    }) : () -> ()
    %scan3A_179 = arith.constant 0 : i32
    %scan3A_180 = arith.constant 16 : i32
    %scan3A_181 = arith.addi %scan3A_179, %scan3A_180 : i32
    %scan3A_182 = arith.constant 1 : i32
    %scan3A_183:2 = scf.for %scan3A_200 = %scan3A_179 to %scan3A_181 step %scan3A_182 iter_args(%scan3A_201 = %broadcast_in_dim3A_19, %scan3A_202 = %broadcast_in_dim3A_21) -> (vector<16xf32>, vector<16xf32>)  : i32 {
      %mul3A_203 = arith.constant 16 : i32
      %mul3A_204 = arith.muli %scan3A_200, %mul3A_203 : i32
      %multiple_of3A_205 = tpu.assume_multiple %mul3A_204, 16 : i32
      %get3A = arith.index_cast %multiple_of3A_205 : i32 to index
      %get3A_206 = tpu.vector_load %arg14[%get3A] {strides = array<i32>} : memref<256xf32, #tpu.memory_space<vmem>>, vector<16xf32>,
      %mul3A_207 = arith.constant 0 : i32
      %mul3A_208 = vector.broadcast %mul3A_207 : i32 to vector<16xi32>
      %mul3A_209 = arith.muli %iota3A, %mul3A_208 : vector<16xi32>
      %lt3A_210 = arith.constant 0 : i32
      %lt3A_211 = vector.broadcast %lt3A_210 : i32 to vector<16xi32>
      %lt3A_212 = arith.cmpi slt, %mul3A_209, %lt3A_211 : vector<16xi32>
      %add3A_213 = arith.constant 16 : i32
      %add3A_214 = vector.broadcast %add3A_213 : i32 to vector<16xi32>
      %add3A_215 = arith.addi %mul3A_209, %add3A_214 : vector<16xi32>
      %select_n3A_216 = arith.select %lt3A_212, %add3A_215, %mul3A_209 : vector<16xi1>, vector<16xi32>
      %broadcast_in_dim3A_217 = vector.shape_cast %select_n3A_216 : vector<16xi32> to vector<16x1xi32>
      %gather3A_218 = vector.shape_cast %broadcast_in_dim3A_217 : vector<16x1xi32> to vector<16xi32>
      %gather3A_219 = tpu.dynamic_gather %get3A_206[%gather3A_218] in [0] : vector<16xf32>, vector<16xi32> -> vector<16xf32>
      %gt3A_220 = arith.cmpf ogt, %gather3A_219, %scan3A_201 : vector<16xf32>
      %select_n3A_221 = arith.select %gt3A_220, %gather3A_219, %scan3A_201 : vector<16xi1>, vector<16xf32>
      %select_n3A_222 = arith.select %gt3A_220, %get3A_206, %scan3A_202 : vector<16xi1>, vector<16xf32>
      scf.yield %select_n3A_221, %select_n3A_222 : vector<16xf32>, vector<16xf32>
    }
    %scan3A_184 = arith.constant 16 : i32
    %eq3A_185 = arith.cmpf oeq, %scan3A_183#0, %broadcast_in_dim3A_19 : vector<16xf32>
    %select_n3A_186 = arith.select %eq3A_185, %scan3A_30#3, %scan3A_183#1 : vector<16xi1>, vector<16xf32>
    %broadcast_in_dim3A_187 = arith.constant false
    %broadcast_in_dim3A_188 = vector.broadcast %broadcast_in_dim3A_187 : i1 to vector<16xi1>
    %select_n3A_189 = arith.select %broadcast_in_dim3A_188, %scan3A_183#0, %scan3A_30#2 : vector<16xi1>, vector<16xf32>
    %select_n3A_190 = arith.select %broadcast_in_dim3A_188, %select_n3A_186, %scan3A_30#3 : vector<16xi1>, vector<16xf32>
    %add3A_191 = arith.constant 45 : i32
    %add3A_192 = vector.broadcast %add3A_191 : i32 to vector<16xi32>
    %add3A_193 = arith.addi %add3A_192, %iota3A : vector<16xi32>
    %lt3A_194 = arith.constant 5 : i32
    %lt3A_195 = vector.broadcast %lt3A_194 : i32 to vector<16xi32>
    %lt3A_196 = arith.cmpi slt, %iota3A, %lt3A_195 : vector<16xi32>
    tpu.vector_store_idx %arg15[%add3A_193], %select_n3A_186 masked %lt3A_196 : memref<50xf32, #tpu.memory_space<vmem>>[vector<16xi32>], vector<16xf32>, vector<16xi1>
    %eq3A_197 = arith.constant 0 : i32
    %eq3A_198 = arith.cmpi eq, %arg1, %eq3A_197 : i32
    %convert_element_type3A = arith.extui %eq3A_198 : i1 to i32
    %cond3A = arith.constant 0 : i32
    %cond3A_199 = arith.cmpi ne, %convert_element_type3A, %cond3A : i32
    scf.if %cond3A_199 {
      "tpu.region"() ({
        %run_scoped3A = tpu.sem_alloc : memref<!tpu.dma_semaphore, #tpu.memory_space<semaphore_mem>>
        tpu.enqueue_dma source(%arg15 : memref<50xf32, #tpu.memory_space<vmem>>) target(%arg7 : memref<50xf32, #tpu.memory_space<hbm>>) target_semaphore(%run_scoped3A : memref<!tpu.dma_semaphore, #tpu.memory_space<semaphore_mem>>)
        tpu.wait_dma2 semaphore(%run_scoped3A : memref<!tpu.dma_semaphore, #tpu.memory_space<semaphore_mem>>) src(%arg15 : memref<50xf32, #tpu.memory_space<vmem>>) dst(%arg7 : memref<50xf32, #tpu.memory_space<hbm>>)
        tpu.yield
      }) : () -> ()
    } else {
    }
    return
  }
}

</mosaic_0001>

<sc_bundles>
// kernel: kernel.3.cloned.1.call-start
scs
__scs_entry_jumppad:
0x0: {  	(pc) =	sbr.rel $0x88, $3  }
0x1: {  	(tag) =	ssettag $0x0;
	lr =	simm.s32 $0x1  }
0x2: {  	[smem:$0x3F9F] =	sst lr;
	_ =	strace $0xD0000000  }
0x3: {  	_ = 	snop  }
0x4: {  	_ = 	snop  }
0x5: {  	_ = 	snop  }
0x6: {  	_ = 	snop  }
0x7: {  	_ = 	snop  }
__scs_overlays_trampoline_lowered:
0x8: {  	[smem:$0x3FAE] =	sst s0  }
0x9: {  	[smem:$0x3FAF] =	sst s1  }
0xa: {  	[smem:$0x3FB0] =	sst s2  }
0xb: {  	[smem:$0x3FB1] =	sst s3  }
0xc: {  	[smem:$0x3FB2] =	sst s4  }
0xd: {  	[smem:$0x3FB3] =	sst s5  }
0xe: {  	[smem:$0x3FB4] =	sst s6  }
0xf: {  	[smem:$0x3FB5] =	sst s7  }
0x10: {  	[smem:$0x3FB6] =	sst s8  }
0x11: {  	[smem:$0x3FB7] =	sst s9;
	s0 =	simm.s32 @!p0 $0x0  }
0x12: {  	s1 =	sld [smem:$0x3F9D];
	s0 =	simm.s32 @p0 $0x1  }
0x13: {  	[smem:$0x3FB8] =	sst s0;
	s0 =	simm.s32 @!p1 $0x0  }
0x14: {  	s2 =	sld [smem:$0x3F9C];
	s0 =	simm.s32 @p1 $0x1  }
0x15: {  	[smem:$0x3FB9] =	sst s0;
	s0 =	simm.s32 @!p2 $0x0  }
0x16: {  	s3 =	sld [smem:$0x3FDB];
	s0 =	simm.s32 @p2 $0x1  }
0x17: {  	s4 =	simm.s32 $0x1BF5;
	[smem:$0x3FBB] =	sst s0  }
0x18: {  	s0 =	sld [smem:$0x3F9E];
	_ =	swait.ge [sflag:s4], $0x0  }
0x19: {  	s7 =	sld [smem:$0x3F9F]  }
0x1a: {  	s8 =	sadd.s32 $0xFFFFE003, lr  }
0x1b: {  	s9 =	sadd.s32 $0xFFFFFEF7, lr;
	s5 =	simm.s32 $0xFFFFFFFF;
	p2 =	slt.u32 s8, $0xFFFFF086  }
0x1c: {  	p1 =	slt.u32 s9, $0xF7A;
	s5 =	simm.s32 @!p2 $0x0  }
0x1d: {  	s5 =	simm.s32 @p1 $0x1;
	p0 =	seq.s32 s7, s2  }
0x1e: {  	s7 =	smul.u32 @!p0 $0xF7A, s2;
	p2 =	seq.s32 @!p0 s5, $0x0  }
0x1f: {  	s9 =	smul.u32 $0xF7A, s1;
	s8 =	simm.s32 @!p0 $0x1BF5;
	p2 =	por !p2, p0  }
0x20: {  	[sflag:s8] =	ssyncset.s32 @!p0 $0xFFFFF086;
	s6 =	sadd.s32 @!p0 s3, s7;
	s7 =	simm.s32 @!p0 $0x108  }
0x21: {  	s3 =	sadd.s32 s3, s9;
	s6 =	sadd.s32 @!p0 $0x88, s6;
	s7 =	simm.s32 @p2 $0x1082  }
0x22: {  	[simem:s7], [sflag:s8] =	dma.local @!p0 [hbm:s6], $0xF7A  }
0x23: {  	s9 =	sor.u32 $0xD0000000, s2;
	s6 =	simm.s32 $0x108;
	_ =	swait.ge @!p0 [sflag:s8], $0x0  }
0x24: {  	s3 =	sadd.s32 $0x88, s3;
	s6 =	simm.s32 @!p1 $0x1082;
	[sflag:s4] =	ssyncset.s32 $0xFFFFF086  }
0x25: {  	[simem:s6], [sflag:s4] =	dma.local [hbm:s3], $0xF7A  }
0x26: {  	[smem:$0x3F9F] =	sst s1;
	(tag) =	ssettag s2;
	_ =	strace s9  }
0x27: {  	s1 =	sld [smem:$0x3FAF]  }
0x28: {  	s2 =	sld [smem:$0x3FB0]  }
0x29: {  	s4 =	sld [smem:$0x3FB2]  }
0x2a: {  	p0 =	seq.s32 s5, $0x0;
	s5 =	sld [smem:$0x3FB3]  }
0x2b: {  	s6 =	sld [smem:$0x3FB4]  }
0x2c: {  	s7 =	sld [smem:$0x3FB5]  }
0x2d: {  	s3 =	simm.s32 $0x108;
	s8 =	sld [smem:$0x3FB6]  }
0x2e: {  	s3 =	simm.s32 @!p0 $0x1082;
	s9 =	sld [smem:$0x3FB7]  }
0x2f: {  	lr =	sadd.s32 s0, s3;
	s0 =	sld [smem:$0x3FAE]  }
0x30: {  	s3 =	sld [smem:$0x3FB1]  }
0x31: {  	[smem:$0x3FBA] =	sst s10  }
0x32: {  	s10 =	sld [smem:$0x3FB8];
	_ =	sdelay $0x3  }
0x33: {  	p0 =	seq.s32 s10, $0x1;
	s10 =	sld [smem:$0x3FBA];
	_ =	sdelay $0x3  }
0x34: {  	[smem:$0x3FBA] =	sst s10  }
0x35: {  	s10 =	sld [smem:$0x3FB9];
	_ =	sdelay $0x3  }
0x36: {  	p1 =	seq.s32 s10, $0x1;
	s10 =	sld [smem:$0x3FBA];
	_ =	sdelay $0x3  }
0x37: {  	[smem:$0x3FBA] =	sst s10  }
0x38: {  	s10 =	sld [smem:$0x3FBB]  }
0x39: {  	_ = 	snop;
	(pc) =	sbr.ind lr, $3  }
0x3a: {  	_ = 	snop  }
0x3b: {  	_ = 	snop  }
0x3c: {  	p2 =	seq.s32 s10, $0x1;
	s10 =	sld [smem:$0x3FBA]  }
0x3d: {  	_ =	shalt  }
0x3e: {  	_ =	shalt  }
0x3f: {  	_ =	shalt  }
0x40: {  	_ =	shalt  }
0x41: {  	_ =	shalt  }
0x42: {  	_ =	shalt  }
0x43: {  	_ =	shalt  }
0x44: {  	_ =	shalt  }
0x45: {  	_ =	shalt  }
0x46: {  	_ =	shalt  }
0x47: {  	_ =	shalt  }
0x48: {  	_ =	shalt  }
0x49: {  	_ =	shalt  }
0x4a: {  	_ =	shalt  }
0x4b: {  	_ =	shalt  }
0x4c: {  	_ =	shalt  }
0x4d: {  	_ =	shalt  }
0x4e: {  	_ =	shalt  }
0x4f: {  	_ =	shalt  }
0x50: {  	_ =	shalt  }
0x51: {  	_ =	shalt  }
0x52: {  	_ =	shalt  }
0x53: {  	_ =	shalt  }
0x54: {  	_ =	shalt  }
0x55: {  	_ =	shalt  }
0x56: {  	_ =	shalt  }
0x57: {  	_ =	shalt  }
0x58: {  	_ =	shalt  }
0x59: {  	_ =	shalt  }
0x5a: {  	_ =	shalt  }
0x5b: {  	_ =	shalt  }
0x5c: {  	_ =	shalt  }
0x5d: {  	_ =	shalt  }
0x5e: {  	_ =	shalt  }
0x5f: {  	_ =	shalt  }
0x60: {  	_ =	shalt  }
0x61: {  	_ =	shalt  }
0x62: {  	_ =	shalt  }
0x63: {  	_ =	shalt  }
0x64: {  	_ =	shalt  }
0x65: {  	_ =	shalt  }
0x66: {  	_ =	shalt  }
0x67: {  	_ =	shalt  }
0x68: {  	_ =	shalt  }
0x69: {  	_ =	shalt  }
0x6a: {  	_ =	shalt  }
0x6b: {  	_ =	shalt  }
0x6c: {  	_ =	shalt  }
0x6d: {  	_ =	shalt  }
0x6e: {  	_ =	shalt  }
0x6f: {  	_ =	shalt  }
0x70: {  	_ =	shalt  }
0x71: {  	_ =	shalt  }
0x72: {  	_ =	shalt  }
0x73: {  	_ =	shalt  }
0x74: {  	_ =	shalt  }
0x75: {  	_ =	shalt  }
0x76: {  	_ =	shalt  }
0x77: {  	_ =	shalt  }
0x78: {  	_ =	shalt  }
0x79: {  	_ =	shalt  }
0x7a: {  	_ =	shalt  }
0x7b: {  	_ =	shalt  }
0x7c: {  	_ =	shalt  }
0x7d: {  	_ =	shalt  }
0x7e: {  	_ =	shalt  }
0x7f: {  	_ =	shalt  }
0x80: {  	_ =	shalt  }
0x81: {  	_ =	shalt  }
0x82: {  	_ =	shalt  }
0x83: {  	_ =	shalt  }
0x84: {  	_ =	shalt  }
0x85: {  	_ =	shalt  }
0x86: {  	_ =	shalt  }
0x87: {  	_ =	shalt  }
.Lfunc_end0:
.L_simem_size_0:
called_computation_lowered:
.L_overlay_start_0:
0x88: {  	s0 =	sld [smem:$0x3FD9]  }
0x89: {  	s1 =	sld [smem:$0x3FFE];
	_ =	sdelay $0x3  }
0x8a: {  	s0 =	sadd.s32 s1, s0  }
0x8b: {  	[smem:$0x3FC6] =	sst s0  }
0x8c: {  	_ = 	snop  }
0x8d: {  	s0 =	sld [smem:$0x3FD0];
	(tm) =	ssettm $0x1  }
0x8e: {  	s16 =	sld [smem:$0x3FFB];
	_ =	sdelay $0x3  }
0x8f: {  	_ =	strace s16  }
0x90: {  	s1 =	sld [smem:$0x3FFC];
	_ =	sdelay $0x3  }
0x91: {  	_ =	strace s1  }
0x92: {  	s1 =	sld [smem:$0x3FFD];
	_ =	sdelay $0x3  }
0x93: {  	_ =	strace s1  }
0x94: {  	_ =	strace $0x8FFFFFFF  }
0x95: {  	s17 =	sld [smem:$0x3FDB];
	_ =	sdelay $0x1  }
0x96: {  	s2 =	simm.s32 $_scs_section_size  }
0x97: {  	s3 =	simm.s32 $_size__tile_overlayer_lowered;
	s4 =	simm.s32 $_tile_overlayer_lowered  }
0x98: {  	s20 =	simm.s32 $0x1BFF;
	s19 =	sshll.u32 s4, $0x1;
	s1 =	sadd.s32 s2, s17  }
0x99: {  	s5 =	simm.s32 $0x0;
	s18 =	sshll.u32 s3, $0x1;
	s3 =	sadd.s32 s19, s1  }
0x9a: {  	[timem:s5], [sflag:s20] =	dma.local [hbm:s3], s18  }
0x9b: {  	_ =	swait.ge [sflag:s20], s18  }
0x9c: {  	s2 =	ssub.s32 $0x0, s18;
	[sflag:s20] =	ssyncset.done $0x0  }
0x9d: {  	[sflag:s20] =	ssyncadd.s32 s2;
	_ =	sdelay $0x1  }
0x9e: {  	s21 =	simm.s32 $0x1B8B  }
0x9f: {  	_ =	swait.ge [sflag:s21], $0x1  }
0xa0: {  	[sflag:s21] =	ssyncset.done $0x0  }
0xa1: {  	s23 =	simm.s32 $0x1B8E;
	s22 =	sld [smem:$0x3FFE];
	[sflag:s21] =	ssyncadd.s32 $0xFFFFFFFF  }
0xa2: {  	s24 =	simm.s32 $execute0_lowered;
	[smem:$0x3FD2] =	sst s23  }
0xa3: {  	s3 =	sshll.u32 s24, $0x1;
	_ =	strace $0x80000046;
	[dreg:$0x1] =	wrdreg $0xFFFFFFFF  }
0xa4: {  	s25 =	simm.s32 $_size_execute0_lowered;
	s1 =	sadd.s32 s1, s3;
	[dreg:$0x0] =	wrdreg $0x0  }
0xa5: {  	s3 =	sshll.u32 s25, $0x1;
	[dreg:$0x2] =	wrdreg s1  }
0xa6: {  	[dreg:$0x3] =	wrdreg s3  }
0xa7: {  	[dreg:$0x4] =	wrdreg $0xC0  }
0xa8: {  	_ =	task [dreg:s5], $0x5FFFF  }
0xa9: {  	[dreg:$0x1] =	wrdreg $0xFFFFFFFF  }
0xaa: {  	[dreg:$0x0] =	wrdreg $0x60  }
0xab: {  	[dreg:$0x2] =	wrdreg s22  }
0xac: {  	[dreg:$0x3] =	wrdreg s0  }
0xad: {  	[dreg:$0x4] =	wrdreg $0x1B000  }
0xae: {  	[dreg:$0x5] =	wrdreg $0x9  }
0xaf: {  	_ =	task.clear_ibuf [dreg:s5], $0x6FFFF;
	_ =	strace $0x90000046  }
0xb0: {  	s26 =	simm.s32 $0x9;
	_ =	strace $0x80000048  }
0xb1: {  	_ =	swait.ge [sflag:s26], $0x1  }
0xb2: {  	[sflag:s26] =	ssyncadd.s32 $0xFFFFFFFF  }
0xb3: {  	_ =	strace $0x90000048  }
0xb4: {  	_ =	sfence  }
0xb5: {  	s28 =	sld [smem:$0x0];
	_ =	sdelay $0x1  }
0xb6: {  	s29 =	srdreg.scid  }
0xb7: {  	s30 =	sshll.u32 s29, $0xD;
	s31 =	sshrl.u32 s29, $0x2  }
0xb8: {  	s2 =	sand.u32 $0x4000, s30;
	s1 =	sand.u32 $0x1, s29;
	s0 =	sadd.s32 s31, s28  }
0xb9: {  	s1 =	sor.u32 s2, s1;
	s0 =	sshll.u32 s0, $0x11  }
0xba: {  	s0 =	sor.u32 s0, s1  }
0xbb: {  	s0 =	sadd.s32 $0x8F2B, s0  }
0xbc: {  	[sflag:s0] =	ssyncadd.remote.s32 $0x1  }
0xbd: {  	_ =	sfence.sel $0xFFFF  }
0xbe: {  	[dreg:$0x0] =	wrdreg $0xFFFFFFFF;
	(pc) =	sbr.abs _section_cstart, $3  }
0xbf: {  	[dreg:$0x1] =	wrdreg $0xFFFFFFFF  }
0xc0: {  	_ =	task.clear_ibuf [dreg:s5], $0x2FFFF;
	_ =	strace $0x9FFFFFFF  }
0xc1: {  	(tm) =	ssettm $0x7FFFFFFF  }
tec
execute0_lowered:
.L_overlay_start_1:
0x0: {  	(tag) =	ssettag $0x1  }
0x1: {  	s5 =	rddreg [dreg:$0x0];
	s2 =	stileid.u32  }
0x2: {  	s1 =	rddreg [dreg:$0x1];
	s6 =	smul.u32 $0xA0, s2  }
0x3: {  	s3 =	rddreg [dreg:$0x2];
	s4 =	simm.s32 $0x0  }
0x4: {  	[smem:$0x7FF] =	sst s4;
	s5 =	sadd.s32 s6, s5  }
0x5: {  	s0 =	rddreg [dreg:$0x3];
	_ =	strace $0x80000047;
	s6 =	sadd.s32 $0x3000, s5  }
0x6: {  	[tilespmem:s4], [sflag:$0x1] =	stream.linear.gather [hbm4b:s6+s4], $0x500, $0x38;
	[tilespmem:$0x1BA0] =	vst v63  }
0x7: {  	s7 =	simm.s32 $0x500;
	s23 =	sadd.s32 $0x2600, s5  }
0x8: {  	[tilespmem:s7], [sflag:$0x1] =	stream.linear.gather [hbm4b:s23+s4], $0x500, $0x38;
	[tilespmem:$0x1BA0] =	vst v63  }
0x9: {  	s25 =	simm.s32 $0xA00;
	s24 =	sadd.s32 $0x1200, s5  }
0xa: {  	[tilespmem:s25], [sflag:$0x1] =	stream.linear.gather [hbm4b:s24+s4], $0x500, $0x38;
	[tilespmem:$0x1BA0] =	vst v63  }
0xb: {  	s28 =	simm.s32 $0xF00;
	s26 =	sadd.s32 $0x1C00, s5  }
0xc: {  	[tilespmem:s28], [sflag:$0x1] =	stream.linear.gather [hbm4b:s26+s4], $0x500, $0x38;
	[tilespmem:$0x1BA0] =	vst v63  }
0xd: {  	s29 =	simm.s32 $0x1400;
	s30 =	simm.s32 $0x1;
	s5 =	sadd.s32 $0x800, s5  }
0xe: {  	[tilespmem:s29], [sflag:$0x1] =	stream.linear.gather [hbm4b:s5+s4], $0x500, $0x38;
	[tilespmem:$0x1BA0] =	vst v63  }
0xf: {  	_ =	swait.ge [sflag:s30], $0x500  }
0x10: {  	[sflag:s30] =	ssyncset.done $0x0  }
0x11: {  	[sflag:s30] =	ssyncadd.s32 $0xFFFFFB00  }
0x12: {  	_ =	swait.ge [sflag:s30], $0x500  }
0x13: {  	[sflag:s30] =	ssyncset.done $0x0  }
0x14: {  	[sflag:s30] =	ssyncadd.s32 $0xFFFFFB00  }
0x15: {  	_ =	swait.ge [sflag:s30], $0x500  }
0x16: {  	[sflag:s30] =	ssyncset.done $0x0  }
0x17: {  	[sflag:s30] =	ssyncadd.s32 $0xFFFFFB00  }
0x18: {  	_ =	swait.ge [sflag:s30], $0x500  }
0x19: {  	[sflag:s30] =	ssyncset.done $0x0  }
0x1a: {  	[sflag:s30] =	ssyncadd.s32 $0xFFFFFB00  }
0x1b: {  	_ =	swait.ge [sflag:s30], $0x500  }
0x1c: {  	[sflag:s30] =	ssyncset.done $0x0  }
0x1d: {  	s31 =	simm.s32 $0x20;
	[sflag:s30] =	ssyncadd.s32 $0xFFFFFB00  }
0x1e: {  	v0 =	vld [tilespmem:s31+$0xFFFFFFE0];
	_ =	sdelay $0x1  }
0x1f: {  	v3 =	vld [tilespmem:s31+$0xFFFFFFF0];
	_ =	sdelay $0x1  }
0x20: {  	v2 =	vimm.f32 $-Inf;
	v1 =	vld [tilespmem:s31+$0x0]  }
0x21: {  	vm0 =	vgt.f32 v0, v2  }
0x22: {  	v4 =	vimm.s32 $0x0;
	v5 =	vsel vm0, v0, v2;
	v0 =	vld [tilespmem:s31+$0x10]  }
0x23: {  	s8 =	simm.s32 $0x1;
	s6 =	simm.s32 $0x60;
	v6 =	vsel vm0, s4, v4;
	vm15 =	vgt.f32 v3, v5  }
0x24: {  	s7 =	simm.s32 $0x8;
	s5 =	simm.s32 $0x4;
	v2 =	vld [tilespmem:s6+$0xFFFFFFE0];
	v4 =	vsel vm15, v3, v5;
	v3 =	vsel vm15, s8, v6  }
.LBB2_1:
0x25: {  	p0 =	slt.u32 s7, $0x4C;
	vm0 =	vgt.f32 v1, v4;
	s8 =	sadd.s32 $0x2, s4  }
0x26: {  	v5 =	vld [tilespmem:s6+$0xFFFFFFF0];
	v4 =	vsel vm0, v1, v4;
	v3 =	vsel vm0, s8, v3  }
0x27: {  	s8 =	sadd.s32 $0x3, s4;
	s4 =	smov.u32 s5;
	s5 =	smov.u32 s7;
	vm0 =	vgt.f32 v0, v4  }
.Ltmp0:
0x28: {  	v1 =	vld [tilespmem:s6+$0x0];
	v0 =	vsel vm0, v0, v4;
	v3 =	vsel vm0, s8, v3;
	(pc) =	sbr.rel @p0 .LBB2_1-.Ltmp0, $4  }
0x29: {  	vm0 =	vgt.f32 v2, v0  }
0x2a: {  	v4 =	vsel vm0, v2, v0;
	v3 =	vsel vm0, s4, v3;
	v0 =	vld [tilespmem:s6+$0x10]  }
0x2b: {  	s8 =	sadd.s32 $0x1, s4;
	s6 =	sadd.s32 $0x40, s6;
	vm0 =	vgt.f32 v5, v4  }
0x2c: {  	s7 =	sadd.s32 $0x4, s7;
	v2 =	vld [tilespmem:s6+$0xFFFFFFE0];
	v4 =	vsel vm0, v5, v4;
	v3 =	vsel vm0, s8, v3  }
0x2d: {  	vm0 =	vgt.f32 v1, v4  }
0x2e: {  	v6 =	vimm.s32 $0xDCFE98BA;
	v7 =	vimm.s32 $0x54761032;
	v8 =	vimm.s32 $0xEFCDAB89  }
0x2f: {  	v9 =	vimm.s32 $0x67452301;
	vm3 =	vcmask $0x714;
	vm4 =	vcmask $0xB14  }
0x30: {  	v5 =	vld [tilespmem:s6+$0xFFFFFFF0];
	v1 =	vsel vm0, v1, v4;
	v6 =	vunpack.c.l.s4.s8 v6;
	v7 =	vunpack.c.l.s4.s8 v7  }
0x31: {  	v8 =	vunpack.c.l.s4.s8 v8;
	v9 =	vunpack.c.l.s4.s8 v9;
	vm1 =	vgt.f32 v0, v1  }
0x32: {  	v4 =	vld [tilespmem:s6+$0x0];
	v0 =	vsel vm1, v0, v1;
	v6 =	vunpack.c.0.s8.s32 v6;
	v7 =	vunpack.c.0.s8.s32 v7  }
0x33: {  	s7 =	sadd.s32 $0x2, s4;
	v8 =	vunpack.c.0.s8.s32 v8;
	v9 =	vunpack.c.0.s8.s32 v9;
	vm2 =	vgt.f32 v2, v0  }
0x34: {  	s26 =	sadd.s32 $0x3, s4;
	v0 =	vsel vm2, v2, v0;
	v2 =	vsel vm0, s7, v3;
	v3 =	vimm.s32 $0xFEDCBA98  }
0x35: {  	v1 =	vld [tilespmem:s6+$0x10];
	vm0 =	vgt.f32 v5, v0;
	v2 =	vsel vm1, s26, v2;
	v3 =	vunpack.c.l.s4.s8 v3  }
0x36: {  	s28 =	sadd.s32 $0x1, s5;
	v0 =	vsel vm0, v5, v0;
	v2 =	vsel vm2, s5, v2;
	v5 =	vimm.s32 $0x32107654  }
0x37: {  	vm2 =	vcmask $0xF14;
	vm1 =	vgt.f32 v4, v0;
	v2 =	vsel vm0, s28, v2  }
0x38: {  	s29 =	sadd.s32 $0x2, s5;
	v5 =	vunpack.c.l.s4.s8 v5;
	v3 =	vunpack.c.0.s8.s32 v3;
	v0 =	vsel vm1, v4, v0  }
0x39: {  	v2 =	vsel vm1, s29, v2;
	v4 =	vimm.s32 $0xBA98FEDC;
	vm1 =	vcmask $0x314  }
0x3a: {  	s30 =	sadd.s32 $0x3, s5;
	vm0 =	vgt.f32 v1, v0;
	v4 =	vunpack.c.l.s4.s8 v4;
	v5 =	vunpack.c.0.s8.s32 v5  }
0x3b: {  	v3 =	vand.u32 $0xF, v3;
	v11 =	vsel vm0, s30, v2;
	v2 =	vimm.s32 $0x76543210  }
0x3c: {  	v10 =	vsel vm0, v1, v0;
	v2 =	vunpack.c.l.s4.s8 v2;
	v4 =	vunpack.c.0.s8.s32 v4  }
0x3d: {  	v0 =	vimm.f32 $0.0e+00;
	v1 =	vimm.s32 $0x4;
	vm0 =	vmmov $0x1  }
0x3e: {  	s31 =	sshll.u32 s2, $0x6;
	s8 =	simm.s32 $0xF00;
	s9 =	simm.s32 $0x1400;
	v12 =	vunpack.c.0.s8.s32 v2;
	v4 =	vcombine.low v5, v4;
	v5 =	vcombine.low v7, v6  }
0x3f: {  	s10 =	simm.s32 $0x1900;
	s11 =	simm.s32 $0x2;
	s12 =	simm.s32 $0x1980;
	v2 =	vlaneseq.u32;
	v6 =	vcombine.low v9, v8;
	v7 =	vimm.s32 $0x1  }
0x40: {  	s13 =	simm.s32 $0x1A80;
	s14 =	simm.s32 $0x0;
	s4 =	sshrl.u32 s31, $0x2;
	v8 =	vimm.s32 $0x2;
	v9 =	vimm.s32 $0x3;
	v3 =	vcombine.low v3, v12  }
0x41: {  	s6 =	simm.s32 $0x500;
	s7 =	simm.s32 $0xA00;
	s5 =	simm.s32 $0x0;
	v4 =	vand.u32 $0xF, v4;
	v5 =	vand.u32 $0xF, v5;
	v6 =	vand.u32 $0xF, v6  }
.LBB2_3:
0x42: {  	v11 =	vshll.u32 v11, $0x4  }
0x43: {  	v11 =	vor.u32 v2, v11  }
0x44: {  	v12 =	vperm.xlane v10, v3;
	v13 =	vperm.xlane v11, v3;
	_ =	sdelay $0x1  }
0x45: {  	vm5 =	veq.f32 v12, v10;
	vm6 =	vlt.s32 v13, v11  }
0x46: {  	vm7 =	vgt.f32 v12, v10;
	vm5 =	vmand vm5, vm6  }
0x47: {  	vm5 =	vmor vm7, vm5  }
0x48: {  	v10 =	vsel vm5, v12, v10;
	v11 =	vsel vm5, v13, v11  }
0x49: {  	v12 =	vperm.xlane v10, v4;
	v13 =	vperm.xlane v11, v4;
	_ =	sdelay $0x1  }
0x4a: {  	vm5 =	veq.f32 v12, v10;
	vm6 =	vlt.s32 v13, v11  }
0x4b: {  	vm7 =	vgt.f32 v12, v10;
	vm5 =	vmand vm5, vm6  }
0x4c: {  	vm5 =	vmor vm7, vm5  }
0x4d: {  	v10 =	vsel vm5, v12, v10;
	v11 =	vsel vm5, v13, v11  }
0x4e: {  	v12 =	vperm.xlane v10, v5;
	v13 =	vperm.xlane v11, v5;
	_ =	sdelay $0x1  }
0x4f: {  	vm5 =	veq.f32 v12, v10;
	vm6 =	vlt.s32 v13, v11  }
0x50: {  	vm7 =	vgt.f32 v12, v10;
	vm5 =	vmand vm5, vm6  }
0x51: {  	vm5 =	vmor vm7, vm5  }
0x52: {  	v10 =	vsel vm5, v12, v10;
	v11 =	vsel vm5, v13, v11  }
0x53: {  	v12 =	vperm.xlane v10, v6;
	v13 =	vperm.xlane v11, v6;
	_ =	sdelay $0x1  }
0x54: {  	vm5 =	veq.f32 v12, v10;
	vm6 =	vlt.s32 v13, v11  }
0x55: {  	vm7 =	vgt.f32 v12, v10;
	vm5 =	vmand vm5, vm6  }
0x56: {  	vm5 =	vmor vm7, vm5  }
0x57: {  	v11 =	vsel vm5, v13, v11;
	_ =	sdelay $0x4  }
0x58: {  	v13 =	vld.idx.msk [tilespmem:v11+s6+$0x0], $0xffff  }
0x59: {  	v14 =	vld.idx.msk [tilespmem:v11+s7+$0x0], $0xffff  }
0x5a: {  	v15 =	vld.idx.msk [tilespmem:v11+s8+$0x0], $0xffff  }
0x5b: {  	v10 =	vsel vm5, v12, v10;
	v11 =	vld.idx.msk [tilespmem:v11+s9+$0x0], $0xffff  }
0x5c: {  	v10 =	vnsel vm0, $0x0, v10  }
0x5d: {  	v10 =	vsel vm1, v10, v13  }
0x5e: {  	s15 =	sshll.u32 s14, $0x8;
	v10 =	vsel vm3, v10, v14  }
0x5f: {  	s15 =	sand.u32 $0x3FFFFF00, s15;
	v10 =	vsel vm4, v10, v15  }
0x60: {  	s15 =	sadd.s32 s15, s3;
	v10 =	vsel vm2, v10, v11  }
0x61: {  	s16 =	sadd.s32 s4, s15;
	[tilespmem:$0x1900] =	vst v10  }
0x62: {  	[spmem:s16] =	stream.linear.scatter [tilespmem:s10], [sflag:$0x2], $0x10, $0x38;
	[tilespmem:$0x1BA0] =	vst v63  }
0x63: {  	_ =	swait.ge [sflag:s11], $0x10  }
0x64: {  	[sflag:s11] =	ssyncset.done $0x0  }
0x65: {  	[sflag:s11] =	ssyncadd.s32 $0xFFFFFFF0  }
0x66: {  	[bflag:$0x0] =	sbarrier.arrive $0xFFFF  }
0x67: {  	[tilespmem:s12], [sflag:$0x2] =	stream.linear.gather [spmem:s15], $0x100, $0x38;
	[tilespmem:$0x1BA0] =	vst v63  }
0x68: {  	_ =	swait.ge [sflag:s11], $0x100  }
0x69: {  	[sflag:s11] =	ssyncset.done $0x0  }
0x6a: {  	[sflag:s11] =	ssyncadd.s32 $0xFFFFFF00  }
0x6b: {  	v10 =	vld [tilespmem:$0x1980];
	_ =	sdelay $0x2  }
0x6c: {  	v11 =	vld [tilespmem:$0x1990]  }
0x6d: {  	v16 =	vimm.s32 $0x0  }
0x6e: {  	v13 =	vld [tilespmem:$0x19A0];
	v12 =	vperm.xlane v10, v16;
	_ =	sdelay $0x1  }
0x6f: {  	v14 =	vld [tilespmem:$0x19B0];
	vm5 =	vlt.f32 v12, $-Inf;
	vm6 =	vgt.f32 v12, $-Inf  }
0x70: {  	v15 =	vperm.xlane v11, v16;
	vm5 =	vmor vm6, vm5  }
0x71: {  	v17 =	vld [tilespmem:$0x19C0];
	v12 =	vnsel vm5, $0xFF800000, v12  }
0x72: {  	v18 =	vperm.xlane v13, v16;
	vm6 =	vgt.f32 v15, v12  }
0x73: {  	v12 =	vsel vm6, v15, v12;
	v15 =	vld [tilespmem:$0x19D0]  }
0x74: {  	v19 =	vperm.xlane v14, v16;
	vm7 =	vgt.f32 v18, v12  }
0x75: {  	v12 =	vsel vm7, v18, v12;
	v18 =	vld [tilespmem:$0x19E0]  }
0x76: {  	v20 =	vperm.xlane v17, v16;
	vm8 =	vgt.f32 v19, v12  }
0x77: {  	v12 =	vsel vm8, v19, v12;
	v19 =	vld [tilespmem:$0x19F0]  }
0x78: {  	vm9 =	vgt.f32 v20, v12;
	v21 =	vperm.xlane v15, v16  }
0x79: {  	v12 =	vsel vm9, v20, v12;
	v20 =	vld [tilespmem:$0x1A00]  }
0x7a: {  	vm10 =	vgt.f32 v21, v12;
	v22 =	vperm.xlane v18, v16  }
0x7b: {  	v12 =	vsel vm10, v21, v12;
	v21 =	vld [tilespmem:$0x1A10]  }
0x7c: {  	vm11 =	vgt.f32 v22, v12;
	v23 =	vperm.xlane v19, v16  }
0x7d: {  	v12 =	vsel vm11, v22, v12;
	v22 =	vld [tilespmem:$0x1A20]  }
0x7e: {  	vm12 =	vgt.f32 v23, v12;
	v24 =	vperm.xlane v20, v16  }
0x7f: {  	v12 =	vsel vm12, v23, v12;
	v23 =	vld [tilespmem:$0x1A30]  }
0x80: {  	vm13 =	vgt.f32 v24, v12;
	v25 =	vperm.xlane v21, v16  }
0x81: {  	v10 =	vnsel vm5, $0x0, v10;
	v12 =	vsel vm13, v24, v12;
	v24 =	vld [tilespmem:$0x1A40]  }
0x82: {  	v10 =	vsel vm6, v11, v10;
	vm5 =	vgt.f32 v25, v12;
	v11 =	vperm.xlane v22, v16  }
0x83: {  	v10 =	vsel vm7, v13, v10;
	v13 =	vld [tilespmem:$0x1A50];
	v12 =	vsel vm5, v25, v12  }
0x84: {  	v10 =	vsel vm8, v14, v10;
	vm6 =	vgt.f32 v11, v12;
	v14 =	vperm.xlane v23, v16  }
0x85: {  	v10 =	vsel vm9, v17, v10;
	v11 =	vsel vm6, v11, v12;
	v12 =	vld [tilespmem:$0x1A60]  }
0x86: {  	v10 =	vsel vm10, v15, v10;
	vm7 =	vgt.f32 v14, v11;
	v15 =	vperm.xlane v24, v16  }
0x87: {  	v10 =	vsel vm11, v18, v10;
	v11 =	vsel vm7, v14, v11;
	v14 =	vld [tilespmem:$0x1A70]  }
0x88: {  	v17 =	vperm.xlane v13, v16;
	v10 =	vsel vm12, v19, v10;
	vm8 =	vgt.f32 v15, v11  }
0x89: {  	v10 =	vsel vm13, v20, v10;
	v11 =	vsel vm8, v15, v11  }
0x8a: {  	v10 =	vsel vm5, v21, v10;
	vm5 =	vgt.f32 v17, v11;
	v15 =	vperm.xlane v12, v16  }
0x8b: {  	s29 =	smul.u32 $0x5, s14;
	v10 =	vsel vm6, v22, v10;
	v11 =	vsel vm5, v17, v11  }
0x8c: {  	v10 =	vsel vm7, v23, v10;
	vm6 =	vgt.f32 v15, v11;
	v17 =	vperm.xlane v14, v16  }
0x8d: {  	v10 =	vsel vm8, v24, v10;
	v11 =	vsel vm6, v15, v11;
	v15 =	vadd.s32 s29, v2  }
0x8e: {  	v10 =	vsel vm5, v13, v10;
	vm5 =	vgt.f32 v17, v11  }
0x8f: {  	v10 =	vsel vm6, v12, v10;
	v11 =	vsel vm5, v17, v11  }
0x90: {  	v10 =	vsel vm5, v14, v10;
	vm5 =	veq.f32 v11, $-Inf  }
0x91: {  	v10 =	vsel vm5, v0, v10  }
0x92: {  	s30 =	simm.s32 $0x520;
	[tilespmem:v15+s13+$0x0] =	vst.idx.msk $0x1f, v10  }
0x93: {  	s31 =	simm.s32 $0xA20;
	v17 =	vld [tilespmem:s30+$0x10]  }
0x94: {  	s17 =	simm.s32 $0xF20;
	v18 =	vld [tilespmem:s31+$0x10]  }
0x95: {  	s18 =	simm.s32 $0x1420;
	v19 =	vld [tilespmem:s17+$0x10]  }
0x96: {  	v20 =	vld [tilespmem:s18+$0x10]  }
0x97: {  	v21 =	vld [tilespmem:s30+$0x0]  }
0x98: {  	v22 =	vld [tilespmem:s31+$0x0]  }
0x99: {  	v23 =	vld [tilespmem:s17+$0x0]  }
0x9a: {  	v13 =	vperm.xlane v10, v7;
	v12 =	vperm.xlane v10, v8;
	v24 =	vld [tilespmem:s18+$0x0]  }
0x9b: {  	v14 =	vperm.xlane v10, v9;
	v15 =	vperm.xlane v10, v1;
	v25 =	vld [tilespmem:s30+$0xFFFFFFF0]  }
0x9c: {  	v26 =	vld [tilespmem:s31+$0xFFFFFFF0]  }
0x9d: {  	v27 =	vld [tilespmem:s17+$0xFFFFFFF0];
	v11 =	vsub.f32 v14, v13;
	v28 =	vsub.f32 v15, v12  }
0x9e: {  	v29 =	vld [tilespmem:s18+$0xFFFFFFF0]  }
0x9f: {  	v30 =	vld [tilespmem:s30+$0xFFFFFFE0];
	v11 =	vmul.f32 v28, v11;
	v28 =	vmin.f32 v19, v14  }
0xa0: {  	v31 =	vld [tilespmem:s17+$0xFFFFFFE0];
	v32 =	vmax.f32 v17, v13;
	v33 =	vmin.f32 v20, v15;
	v34 =	vmax.f32 v18, v12  }
0xa1: {  	v17 =	vsub.f32 v19, v17;
	v19 =	vmin.f32 v23, v14;
	v18 =	vsub.f32 v20, v18  }
0xa2: {  	v36 =	vmax.f32 v21, v13;
	v37 =	vmin.f32 v24, v15;
	v38 =	vmax.f32 v22, v12  }
0xa3: {  	v35 =	vld [tilespmem:s18+$0xFFFFFFE0];
	v39 =	vmin.f32 v27, v14;
	v21 =	vsub.f32 v23, v21;
	v22 =	vsub.f32 v24, v22  }
0xa4: {  	v23 =	vmax.f32 v25, v13;
	v24 =	vmin.f32 v29, v15;
	v25 =	vsub.f32 v27, v25  }
0xa5: {  	v20 =	vld [tilespmem:s31+$0xFFFFFFE0];
	v27 =	vmax.f32 v26, v12;
	v26 =	vsub.f32 v29, v26;
	v29 =	vsub.f32 v31, v30  }
0xa6: {  	v31 =	vmin.f32 v31, v14;
	v28 =	vsub.f32 v28, v32;
	v54 =	vsub.f32 v33, v34  }
0xa7: {  	v30 =	vmax.f32 v30, v13;
	v19 =	vsub.f32 v19, v36;
	v56 =	vsub.f32 v37, v38  }
0xa8: {  	s19 =	simm.s32 $0x1460;
	v55 =	vmin.f32 v35, v15;
	v23 =	vsub.f32 v39, v23;
	v30 =	vsub.f32 v31, v30  }
0xa9: {  	s16 =	simm.s32 $0x560;
	v59 =	vld [tilespmem:s19+$0x0];
	v24 =	vsub.f32 v24, v27;
	v21 =	vmul.f32 v22, v21;
	v17 =	vmul.f32 v18, v17  }
0xaa: {  	v61 =	vld [tilespmem:s16+$0xFFFFFFF0];
	v22 =	vmul.f32 v26, v25;
	v40 =	vsub.f32 v35, v20;
	v20 =	vmax.f32 v20, v12  }
0xab: {  	v42 =	vld [tilespmem:s19+$0xFFFFFFF0];
	vm5 =	vlt.f32 v28, $0.0e+00;
	vm6 =	vlt.f32 v19, $0.0e+00;
	v20 =	vsub.f32 v55, v20  }
0xac: {  	v45 =	vld [tilespmem:s16+$0xFFFFFFE0];
	vm7 =	vlt.f32 v56, $0.0e+00;
	vm8 =	vlt.f32 v54, $0.0e+00;
	v18 =	vmul.f32 v40, v29  }
0xad: {  	s17 =	simm.s32 $0xA60;
	v50 =	vld [tilespmem:s19+$0xFFFFFFE0];
	vm12 =	vlt.f32 v30, $0.0e+00;
	vm13 =	vlt.f32 v20, $0.0e+00;
	v20 =	vmul.f32 v20, v30  }
0xae: {  	v57 =	vld [tilespmem:s17+$0x0];
	vm14 =	vlt.f32 v23, $0.0e+00;
	vm9 =	vmor vm12, vm13;
	v18 =	vadd.f32 v18, v11  }
0xaf: {  	s18 =	simm.s32 $0xF60;
	v62 =	vld [tilespmem:s17+$0xFFFFFFF0];
	vm15 =	vlt.f32 v24, $0.0e+00;
	v58 =	vsel vm9, $0x0, v20;
	v20 =	vmul.f32 v24, v23  }
0xb0: {  	v47 =	vld [tilespmem:s18+$0xFFFFFFE0];
	v22 =	vadd.f32 v22, v11;
	vm9 =	vmor vm14, vm15;
	v18 =	vsub.f32 v18, v58  }
0xb1: {  	v27 =	vld [tilespmem:s16+$0x10];
	v19 =	vmul.f32 v56, v19;
	vm6 =	vmor vm6, vm7;
	v60 =	vsel vm9, $0x0, v20  }
0xb2: {  	v31 =	vld [tilespmem:s17+$0x10];
	v21 =	vadd.f32 v21, v11;
	v20 =	vsub.f32 v22, v60;
	(erf) = vrcp.f32 v18  }
0xb3: {  	v25 =	vld [tilespmem:s18+$0x10];
	vm5 =	vmor vm5, vm8;
	v63 =	vsel vm6, $0x0, v19;
	v18 =	vmul.f32 v54, v28  }
0xb4: {  	v26 =	vld [tilespmem:s19+$0x10];
	v17 =	vadd.f32 v17, v11;
	v19 =	vsub.f32 v21, v63;
	(erf) = vrcp.f32 v20  }
0xb5: {  	v41 =	vimm.f32 $-Inf;
	v32 =	vmax.f32 v61, v13;
	v24 =	vld [tilespmem:s18+$0x0];
	v44 =	vsel vm5, $0x0, v18  }
0xb6: {  	v37 =	vmax.f32 v45, v13;
	v29 =	vld [tilespmem:s16+$0x0];
	v17 =	vsub.f32 v17, v44;
	(erf) = vrcp.f32 v19  }
0xb7: {  	v34 =	vmin.f32 v50, v15;
	v33 =	vsub.f32 v47, v45;
	v35 =	vmin.f32 v47, v14;
	v23 =	vld [tilespmem:s17+$0xFFFFFFE0]  }
0xb8: {  	v46 =	vmax.f32 v27, v13;
	v49 =	vmax.f32 v31, v12;
	(erf) = vrcp.f32 v17  }
0xb9: {  	s15 =	simm.s32 $0x20;
	v21 =	vsub.f32 v59, v57;
	v43 =	vmin.f32 v25, v14;
	v48 =	vmin.f32 v26, v15;
	v54 =	vld [tilespmem:s18+$0xFFFFFFF0]  }
0xba: {  	v51 =	vld [tilespmem:s15+$0xFFFFFFE0];
	v30 =	vmax.f32 v57, v12;
	v18 =	vsub.f32 v25, v27;
	v22 =	vmin.f32 v24, v14  }
0xbb: {  	v27 =	vmin.f32 v59, v15;
	v20 =	vsub.f32 v24, v29;
	v25 =	vsub.f32 v42, v62;
	v17 =	vpop (erf)  }
0xbc: {  	v55 =	vld [tilespmem:s15+$0xFFFFFFF0];
	v36 =	vsub.f32 v50, v23;
	v19 =	vsub.f32 v26, v31;
	v17 =	vmul.f32 v17, v58  }
0xbd: {  	v26 =	vmax.f32 v29, v13;
	v29 =	vmin.f32 v42, v15;
	v31 =	vmax.f32 v62, v12;
	v56 =	vpop (erf)  }
0xbe: {  	v57 =	vld [tilespmem:s15+$0x0];
	v28 =	vmin.f32 v54, v14;
	vm5 =	vlt.f32 v17, $2.500000000e-01;
	v38 =	vmul.f32 v56, v60  }
0xbf: {  	v24 =	vsub.f32 v54, v61;
	v17 =	vsub.f32 v43, v46;
	v59 =	vpop (erf);
	v58 =	vnsel vm5, $0xFF800000, v51  }
0xc0: {  	v39 =	vld [tilespmem:s15+$0x10];
	v60 =	vmul.f32 v59, v63;
	vm5 =	vgt.f32 v58, v41;
	vm6 =	vlt.f32 v38, $2.500000000e-01  }
0xc1: {  	v62 =	vpop (erf);
	v61 =	vsel vm5, v58, v41;
	v16 =	vsel vm5, s5, v16;
	v40 =	vnsel vm6, $0xFF800000, v55  }
0xc2: {  	s21 =	simm.s32 $0x1;
	[tilespmem:s15+$0xFFFFFFE0] =	vst v58;
	vm6 =	vlt.f32 v60, $2.500000000e-01;
	v63 =	vmul.f32 v62, v44;
	vm5 =	vgt.f32 v40, v61  }
0xc3: {  	s20 =	simm.s32 $0x4;
	[tilespmem:s15+$0xFFFFFFF0] =	vst v40;
	v41 =	vnsel vm6, $0xFF800000, v57;
	v40 =	vsel vm5, v40, v61;
	v38 =	vsel vm5, s21, v16  }
0xc4: {  	s22 =	simm.s32 $0x8;
	s23 =	simm.s32 $0x2;
	v16 =	vsub.f32 v48, v49;
	[tilespmem:s15+$0x0] =	vst v41;
	vm6 =	vlt.f32 v63, $2.500000000e-01;
	s21 =	simm.s32 $0x0;
	vm5 =	vgt.f32 v41, v40  }
.LBB2_4:
0xc5: {  	p0 =	slt.u32 s22, $0x4C;
	v40 =	vsel vm5, v41, v40;
	v38 =	vsel vm5, s23, v38;
	v39 =	vnsel vm6, $0xFF800000, v39  }
0xc6: {  	v22 =	vsub.f32 v22, v26;
	v26 =	vsub.f32 v27, v30;
	s23 =	sadd.s32 $0x3, s21;
	s21 =	smov.u32 s20;
	s20 =	smov.u32 s22;
	[tilespmem:s15+$0x10] =	vst v39;
	vm5 =	vgt.f32 v39, v40  }
0xc7: {  	v27 =	vsub.f32 v28, v32;
	v40 =	vsel vm5, v39, v40;
	v38 =	vsel vm5, s23, v38  }
0xc8: {  	v28 =	vsub.f32 v35, v37;
	v23 =	vmax.f32 v23, v12;
	v29 =	vsub.f32 v29, v31;
	s16 =	sadd.s32 $0x40, s16  }
0xc9: {  	v20 =	vmul.f32 v21, v20;
	v18 =	vmul.f32 v19, v18;
	s17 =	sadd.s32 $0x40, s17;
	v23 =	vsub.f32 v34, v23;
	v30 =	vld [tilespmem:s16+$0x10]  }
0xca: {  	v21 =	vmul.f32 v36, v33;
	v24 =	vmul.f32 v25, v24;
	s18 =	sadd.s32 $0x40, s18;
	vm5 =	vlt.f32 v17, $0.0e+00;
	v19 =	vld [tilespmem:s17+$0x10]  }
0xcb: {  	s19 =	sadd.s32 $0x40, s19;
	vm6 =	vlt.f32 v16, $0.0e+00;
	vm7 =	vlt.f32 v22, $0.0e+00;
	vm8 =	vlt.f32 v26, $0.0e+00;
	v25 =	vld [tilespmem:s18+$0x10]  }
0xcc: {  	vm9 =	vlt.f32 v28, $0.0e+00;
	vm10 =	vlt.f32 v23, $0.0e+00;
	v23 =	vmul.f32 v23, v28;
	v31 =	vld [tilespmem:s19+$0x10]  }
0xcd: {  	v21 =	vadd.f32 v21, v11;
	vm9 =	vmor vm9, vm10;
	vm10 =	vlt.f32 v27, $0.0e+00;
	v32 =	vld [tilespmem:s16+$0x0]  }
0xce: {  	v34 =	vsel vm9, $0x0, v23;
	vm9 =	vlt.f32 v29, $0.0e+00;
	v23 =	vmul.f32 v29, v27;
	v33 =	vld [tilespmem:s17+$0x0]  }
0xcf: {  	v24 =	vadd.f32 v24, v11;
	v21 =	vsub.f32 v21, v34;
	vm9 =	vmor vm10, vm9;
	v29 =	vld [tilespmem:s18+$0x0]  }
0xd0: {  	v22 =	vmul.f32 v26, v22;
	vm7 =	vmor vm7, vm8;
	v36 =	vsel vm9, $0x0, v23;
	v35 =	vld [tilespmem:s19+$0x0]  }
0xd1: {  	v20 =	vadd.f32 v20, v11;
	v23 =	vsub.f32 v24, v36;
	v37 =	vld [tilespmem:s16+$0xFFFFFFF0];
	(erf) = vrcp.f32 v21  }
0xd2: {  	v16 =	vmul.f32 v16, v17;
	vm5 =	vmor vm5, vm6;
	v41 =	vsel vm7, $0x0, v22;
	v39 =	vld [tilespmem:s17+$0xFFFFFFF0]  }
0xd3: {  	v18 =	vadd.f32 v18, v11;
	v20 =	vsub.f32 v20, v41;
	v17 =	vld [tilespmem:s18+$0xFFFFFFF0];
	(erf) = vrcp.f32 v23  }
0xd4: {  	v16 =	vsel vm5, $0x0, v16;
	v43 =	vmin.f32 v25, v14;
	v42 =	vld [tilespmem:s19+$0xFFFFFFF0]  }
0xd5: {  	v45 =	vmax.f32 v30, v13;
	v21 =	vsub.f32 v18, v16;
	v44 =	vld [tilespmem:s16+$0xFFFFFFE0];
	(erf) = vrcp.f32 v20  }
0xd6: {  	v48 =	vmax.f32 v19, v12;
	v47 =	vmin.f32 v31, v15;
	v18 =	vsub.f32 v25, v30;
	v46 =	vld [tilespmem:s18+$0xFFFFFFE0]  }
0xd7: {  	s15 =	sadd.s32 $0x40, s15;
	v19 =	vsub.f32 v31, v19;
	v22 =	vmin.f32 v29, v14;
	v49 =	vld [tilespmem:s19+$0xFFFFFFE0];
	(erf) = vrcp.f32 v21  }
0xd8: {  	v26 =	vmax.f32 v32, v13;
	v30 =	vmax.f32 v33, v12;
	v27 =	vmin.f32 v35, v15;
	v50 =	vld [tilespmem:s15+$0xFFFFFFE0]  }
0xd9: {  	v20 =	vsub.f32 v29, v32;
	v21 =	vsub.f32 v35, v33;
	v28 =	vmin.f32 v17, v14;
	v23 =	vld [tilespmem:s17+$0xFFFFFFE0]  }
0xda: {  	v32 =	vmax.f32 v37, v13;
	v31 =	vmax.f32 v39, v12;
	v29 =	vmin.f32 v42, v15;
	v33 =	vpop (erf)  }
0xdb: {  	v24 =	vsub.f32 v17, v37;
	v25 =	vsub.f32 v42, v39;
	v17 =	vmul.f32 v33, v34;
	v42 =	vld [tilespmem:s15+$0xFFFFFFF0]  }
0xdc: {  	v37 =	vmax.f32 v44, v13;
	v35 =	vmin.f32 v46, v14;
	v34 =	vmin.f32 v49, v15;
	v39 =	vpop (erf)  }
0xdd: {  	v33 =	vsub.f32 v46, v44;
	vm5 =	vlt.f32 v17, $2.500000000e-01;
	v39 =	vmul.f32 v39, v36;
	v44 =	vld [tilespmem:s15+$0x0]  }
0xde: {  	v17 =	vsub.f32 v43, v45;
	v36 =	vsub.f32 v49, v23;
	v46 =	vnsel vm5, $0xFF800000, v50;
	v45 =	vpop (erf)  }
.Ltmp1:
0xdf: {  	[tilespmem:s15+$0xFFFFFFE0] =	vst v46;
	vm5 =	vgt.f32 v46, v40;
	vm6 =	vlt.f32 v39, $2.500000000e-01;
	v41 =	vmul.f32 v45, v41;
	v39 =	vld [tilespmem:s15+$0x10];
	(pc) =	sbr.rel @p0 .LBB2_4-.Ltmp1, $4  }
0xe0: {  	v40 =	vsel vm5, v46, v40;
	v38 =	vsel vm5, s21, v38;
	v42 =	vnsel vm6, $0xFF800000, v42;
	v43 =	vpop (erf)  }
0xe1: {  	s23 =	sadd.s32 $0x1, s21;
	[tilespmem:s15+$0xFFFFFFF0] =	vst v42;
	vm5 =	vgt.f32 v42, v40;
	vm6 =	vlt.f32 v41, $2.500000000e-01;
	v43 =	vmul.f32 v43, v16  }
0xe2: {  	v40 =	vsel vm5, v42, v40;
	v38 =	vsel vm5, s23, v38;
	v41 =	vnsel vm6, $0xFF800000, v44  }
0xe3: {  	s22 =	sadd.s32 $0x4, s22;
	v16 =	vsub.f32 v47, v48;
	s23 =	sadd.s32 $0x2, s21;
	[tilespmem:s15+$0x0] =	vst v41;
	vm5 =	vgt.f32 v41, v40;
	vm6 =	vlt.f32 v43, $2.500000000e-01  }
0xe4: {  	v13 =	vsub.f32 v22, v26  }
0xe5: {  	v14 =	vsub.f32 v27, v30;
	v15 =	vsub.f32 v28, v32  }
0xe6: {  	v37 =	vsub.f32 v35, v37;
	v12 =	vmax.f32 v23, v12;
	v20 =	vmul.f32 v21, v20  }
0xe7: {  	v42 =	vsub.f32 v29, v31;
	v18 =	vmul.f32 v19, v18;
	v43 =	vmul.f32 v36, v33  }
0xe8: {  	v44 =	vmul.f32 v25, v24;
	vm7 =	vlt.f32 v17, $0.0e+00;
	v12 =	vsub.f32 v34, v12  }
0xe9: {  	vm13 =	vlt.f32 v16, $0.0e+00;
	vm8 =	vlt.f32 v37, $0.0e+00;
	v19 =	vadd.f32 v43, v11  }
0xea: {  	vm14 =	vlt.f32 v15, $0.0e+00;
	vm9 =	vlt.f32 v12, $0.0e+00;
	v12 =	vmul.f32 v12, v37  }
0xeb: {  	vm15 =	vlt.f32 v42, $0.0e+00;
	v15 =	vmul.f32 v42, v15;
	vm8 =	vmor vm8, vm9  }
0xec: {  	vm10 =	vlt.f32 v13, $0.0e+00;
	vm12 =	vlt.f32 v14, $0.0e+00;
	v12 =	vsel vm8, $0x0, v12  }
0xed: {  	v21 =	vadd.f32 v44, v11;
	vm8 =	vmor vm14, vm15;
	v19 =	vsub.f32 v19, v12  }
0xee: {  	v13 =	vmul.f32 v14, v13;
	v20 =	vadd.f32 v20, v11;
	v15 =	vsel vm8, $0x0, v15  }
0xef: {  	vm9 =	vmor vm10, vm12;
	v45 =	vsub.f32 v21, v15;
	(erf) = vrcp.f32 v19  }
0xf0: {  	v46 =	vmul.f32 v16, v17;
	vm7 =	vmor vm7, vm13;
	v13 =	vsel vm9, $0x0, v13  }
0xf1: {  	v11 =	vadd.f32 v18, v11;
	v47 =	vsub.f32 v20, v13;
	(erf) = vrcp.f32 v45  }
0xf2: {  	v48 =	vsel vm7, $0x0, v46  }
0xf3: {  	v11 =	vsub.f32 v11, v48;
	(erf) = vrcp.f32 v47;
	_ =	sdelay $0x1  }
0xf4: {  	(erf) = vrcp.f32 v11  }
0xf5: {  	s16 =	sadd.s32 $0x40, s15  }
0xf6: {  	v11 =	vld [tilespmem:s16+$0xFFFFFFE0]  }
0xf7: {  	v49 =	vpop (erf)  }
0xf8: {  	v50 =	vld [tilespmem:s16+$0xFFFFFFF0];
	v12 =	vmul.f32 v49, v12  }
0xf9: {  	v51 =	vsel vm5, v41, v40;
	v52 =	vnsel vm6, $0xFF800000, v39;
	v53 =	vpop (erf)  }
0xfa: {  	vm6 =	vgt.f32 v52, v51;
	v55 =	vld [tilespmem:s16+$0x0];
	v54 =	vmul.f32 v53, v15;
	vm7 =	vlt.f32 v12, $2.500000000e-01  }
0xfb: {  	v17 =	vsel vm6, v52, v51;
	v56 =	vpop (erf);
	v11 =	vnsel vm7, $0xFF800000, v11  }
0xfc: {  	v58 =	vld [tilespmem:s16+$0x10];
	v57 =	vmul.f32 v56, v13;
	vm14 =	vlt.f32 v54, $2.500000000e-01;
	vm7 =	vgt.f32 v11, v17  }
0xfd: {  	v59 =	vsel vm5, s23, v38;
	p0 =	seq.s32 s14, $0x0;
	s14 =	sadd.s32 $0x1, s14;
	v60 =	vpop (erf);
	v16 =	vnsel vm14, $0xFF800000, v50;
	v17 =	vsel vm7, v11, v17  }
0xfe: {  	s17 =	sadd.s32 $0x3, s21;
	p1 =	sne.s32 s14, $0x9;
	v61 =	vmul.f32 v60, v48;
	vm15 =	vlt.f32 v57, $2.500000000e-01;
	vm5 =	vgt.f32 v16, v17  }
.Ltmp2:
0xff: {  	[tilespmem:s15+$0x10] =	vst v52;
	v62 =	vsel vm6, s17, v59;
	v15 =	vnsel vm15, $0xFF800000, v55;
	v17 =	vsel vm5, v16, v17;
	(pc) =	sbr.rel @p1 .LBB2_3-.Ltmp2, $4  }
0x100: {  	s29 =	sadd.s32 $0x1, s20;
	[tilespmem:s16+$0xFFFFFFE0] =	vst v11;
	v11 =	vsel vm7, s20, v62;
	vm7 =	vlt.f32 v61, $2.500000000e-01;
	vm6 =	vgt.f32 v15, v17  }
0x101: {  	s30 =	sadd.s32 $0x2, s20;
	[tilespmem:s16+$0xFFFFFFF0] =	vst v16;
	v13 =	vnsel vm7, $0xFF800000, v58;
	v11 =	vsel vm5, s29, v11;
	v63 =	vsel vm6, v15, v17  }
0x102: {  	s31 =	sadd.s32 $0x3, s20;
	[tilespmem:s16+$0x0] =	vst v15;
	v11 =	vsel vm6, s30, v11;
	vm5 =	vgt.f32 v13, v63  }
0x103: {  	v0 =	vpsel p0, v10, v0;
	[tilespmem:s16+$0x10] =	vst v13;
	v10 =	vsel vm5, v13, v63;
	v11 =	vsel vm5, s31, v11  }
0x104: {  	v1 =	vimm.s32 $0xFEDCBA98  }
0x105: {  	v2 =	vimm.s32 $0x76543210;
	v1 =	vunpack.c.l.s4.s8 v1  }
0x106: {  	v2 =	vunpack.c.l.s4.s8 v2  }
0x107: {  	v3 =	vunpack.c.0.s8.s32 v1  }
0x108: {  	v2 =	vunpack.c.0.s8.s32 v2  }
0x109: {  	v4 =	vshll.u32 v11, $0x4;
	v28 =	vlaneseq.u32;
	v3 =	vand.u32 $0xF, v3  }
0x10a: {  	v29 =	vimm.s32 $0xBA98FEDC;
	v5 =	vimm.s32 $0x32107654;
	v2 =	vcombine.low v3, v2  }
0x10b: {  	v4 =	vor.u32 v28, v4;
	v5 =	vunpack.c.l.s4.s8 v5;
	v3 =	vunpack.c.l.s4.s8 v29  }
0x10c: {  	v6 =	vperm.xlane v10, v2;
	v2 =	vperm.xlane v4, v2  }
0x10d: {  	v5 =	vunpack.c.0.s8.s32 v5;
	v3 =	vunpack.c.0.s8.s32 v3  }
0x10e: {  	v7 =	vimm.s32 $0x54761032;
	vm5 =	veq.f32 v6, v10;
	vm6 =	vlt.s32 v2, v4  }
0x10f: {  	vm7 =	vgt.f32 v6, v10;
	v3 =	vcombine.low v5, v3;
	vm5 =	vmand vm5, vm6  }
0x110: {  	v32 =	vimm.s32 $0xDCFE98BA;
	v7 =	vunpack.c.l.s4.s8 v7;
	vm5 =	vmor vm7, vm5  }
0x111: {  	v3 =	vand.u32 $0xF, v3;
	v30 =	vsel vm5, v6, v10;
	v2 =	vsel vm5, v2, v4  }
0x112: {  	v6 =	vunpack.c.l.s4.s8 v32;
	v31 =	vperm.xlane v30, v3;
	v3 =	vperm.xlane v2, v3  }
0x113: {  	v7 =	vunpack.c.0.s8.s32 v7  }
0x114: {  	v6 =	vunpack.c.0.s8.s32 v6;
	vm12 =	veq.f32 v31, v30;
	vm13 =	vlt.s32 v3, v2  }
0x115: {  	vm11 =	vgt.f32 v31, v30;
	vm6 =	vmand vm12, vm13  }
0x116: {  	v35 =	vimm.s32 $0x67452301;
	v33 =	vcombine.low v7, v6;
	vm5 =	vmor vm11, vm6  }
0x117: {  	v34 =	vimm.s32 $0xEFCDAB89;
	v6 =	vunpack.c.l.s4.s8 v35;
	v4 =	vsel vm5, v31, v30  }
0x118: {  	v2 =	vsel vm5, v3, v2;
	v5 =	vand.u32 $0xF, v33;
	v3 =	vunpack.c.l.s4.s8 v34  }
0x119: {  	v36 =	vperm.xlane v4, v5;
	v5 =	vperm.xlane v2, v5  }
0x11a: {  	v6 =	vunpack.c.0.s8.s32 v6;
	v3 =	vunpack.c.0.s8.s32 v3  }
0x11b: {  	vm14 =	veq.f32 v36, v4;
	vm15 =	vlt.s32 v5, v2  }
0x11c: {  	vm9 =	vgt.f32 v36, v4;
	vm5 =	vmand vm14, vm15;
	v3 =	vcombine.low v6, v3  }
0x11d: {  	vm5 =	vmor vm9, vm5  }
0x11e: {  	v4 =	vsel vm5, v36, v4;
	v2 =	vsel vm5, v5, v2;
	v3 =	vand.u32 $0xF, v3  }
0x11f: {  	v37 =	vperm.xlane v4, v3;
	v3 =	vperm.xlane v2, v3;
	_ =	sdelay $0x1  }
0x120: {  	vm10 =	veq.f32 v37, v4;
	vm11 =	vlt.s32 v3, v2  }
0x121: {  	vm12 =	vgt.f32 v37, v4;
	vm5 =	vmand vm10, vm11  }
0x122: {  	vm5 =	vmor vm12, vm5  }
0x123: {  	v2 =	vsel vm5, v3, v2;
	_ =	sdelay $0x3  }
0x124: {  	s5 =	simm.s32 $0x500  }
0x125: {  	s23 =	simm.s32 $0xA00;
	v3 =	vld.idx.msk [tilespmem:v2+s5+$0x0], $0xffff  }
0x126: {  	s24 =	simm.s32 $0xF00;
	v38 =	vld.idx.msk [tilespmem:v2+s23+$0x0], $0xffff  }
0x127: {  	s25 =	simm.s32 $0x1400;
	v39 =	vld.idx.msk [tilespmem:v2+s24+$0x0], $0xffff  }
0x128: {  	v4 =	vsel vm5, v37, v4;
	v2 =	vld.idx.msk [tilespmem:v2+s25+$0x0], $0xffff  }
0x129: {  	v4 =	vnsel vm0, $0x0, v4  }
0x12a: {  	v3 =	vsel vm1, v4, v3  }
0x12b: {  	v3 =	vsel vm3, v3, v38  }
0x12c: {  	v3 =	vsel vm4, v3, v39  }
0x12d: {  	s4 =	sadd.s32 s4, s3;
	v2 =	vsel vm2, v3, v2  }
0x12e: {  	s26 =	simm.s32 $0x1900;
	s28 =	simm.s32 $0x2;
	s4 =	sadd.s32 $0x900, s4;
	[tilespmem:$0x1900] =	vst v2  }
0x12f: {  	[spmem:s4] =	stream.linear.scatter [tilespmem:s26], [sflag:$0x2], $0x10, $0x38;
	[tilespmem:$0x1BA0] =	vst v63  }
0x130: {  	_ =	swait.ge [sflag:s28], $0x10  }
0x131: {  	[sflag:s28] =	ssyncset.done $0x0  }
0x132: {  	[sflag:s28] =	ssyncadd.s32 $0xFFFFFFF0  }
0x133: {  	s29 =	sadd.s32 $0x900, s3;
	s30 =	simm.s32 $0x1980;
	[bflag:$0x0] =	sbarrier.arrive $0xFFFF  }
0x134: {  	[tilespmem:s30], [sflag:$0x2] =	stream.linear.gather [spmem:s29], $0x100, $0x38;
	[tilespmem:$0x1BA0] =	vst v63  }
0x135: {  	_ =	swait.ge [sflag:s28], $0x100  }
0x136: {  	[sflag:s28] =	ssyncset.done $0x0  }
0x137: {  	[sflag:s28] =	ssyncadd.s32 $0xFFFFFF00  }
0x138: {  	v40 =	vld [tilespmem:$0x1980];
	_ =	sdelay $0x2  }
0x139: {  	v41 =	vld [tilespmem:$0x1990]  }
0x13a: {  	v42 =	vimm.s32 $0x0  }
0x13b: {  	v44 =	vld [tilespmem:$0x19A0];
	v43 =	vperm.xlane v40, v42;
	_ =	sdelay $0x1  }
0x13c: {  	v45 =	vld [tilespmem:$0x19B0];
	vm13 =	vlt.f32 v43, $-Inf;
	vm14 =	vgt.f32 v43, $-Inf  }
0x13d: {  	v8 =	vperm.xlane v41, v42;
	vm0 =	vmor vm14, vm13  }
0x13e: {  	v9 =	vld [tilespmem:$0x19C0];
	v5 =	vnsel vm0, $0xFF800000, v43  }
0x13f: {  	v46 =	vperm.xlane v44, v42;
	vm15 =	vgt.f32 v8, v5  }
0x140: {  	v47 =	vld [tilespmem:$0x19D0];
	v5 =	vsel vm15, v8, v5  }
0x141: {  	v48 =	vperm.xlane v45, v42;
	vm2 =	vgt.f32 v46, v5  }
0x142: {  	v49 =	vld [tilespmem:$0x19E0];
	v5 =	vsel vm2, v46, v5  }
0x143: {  	v12 =	vperm.xlane v9, v42;
	vm3 =	vgt.f32 v48, v5  }
0x144: {  	v50 =	vld [tilespmem:$0x19F0];
	v5 =	vsel vm3, v48, v5  }
0x145: {  	v13 =	vperm.xlane v47, v42;
	vm4 =	vgt.f32 v12, v5  }
0x146: {  	v51 =	vld [tilespmem:$0x1A00];
	v5 =	vsel vm4, v12, v5  }
0x147: {  	v14 =	vperm.xlane v49, v42;
	vm12 =	vgt.f32 v13, v5  }
0x148: {  	v52 =	vld [tilespmem:$0x1A10];
	v5 =	vsel vm12, v13, v5  }
0x149: {  	v15 =	vperm.xlane v50, v42;
	vm13 =	vgt.f32 v14, v5  }
0x14a: {  	v53 =	vld [tilespmem:$0x1A20];
	v5 =	vsel vm13, v14, v5  }
0x14b: {  	v16 =	vperm.xlane v51, v42;
	vm14 =	vgt.f32 v15, v5  }
0x14c: {  	v54 =	vld [tilespmem:$0x1A30];
	v5 =	vsel vm14, v15, v5  }
0x14d: {  	v17 =	vperm.xlane v52, v42;
	vm8 =	vgt.f32 v16, v5  }
0x14e: {  	v55 =	vld [tilespmem:$0x1A40];
	v2 =	vnsel vm0, $0x0, v40;
	v5 =	vsel vm8, v16, v5  }
0x14f: {  	v56 =	vperm.xlane v53, v42;
	v2 =	vsel vm15, v41, v2;
	vm15 =	vgt.f32 v17, v5  }
0x150: {  	v57 =	vld [tilespmem:$0x1A50];
	v2 =	vsel vm2, v44, v2;
	v5 =	vsel vm15, v17, v5  }
0x151: {  	v58 =	vperm.xlane v54, v42;
	v2 =	vsel vm3, v45, v2;
	vm9 =	vgt.f32 v56, v5  }
0x152: {  	v59 =	vld [tilespmem:$0x1A60];
	v2 =	vsel vm4, v9, v2;
	v3 =	vsel vm9, v56, v5  }
0x153: {  	v60 =	vperm.xlane v55, v42;
	v2 =	vsel vm12, v47, v2;
	vm10 =	vgt.f32 v58, v3  }
0x154: {  	v61 =	vld [tilespmem:$0x1A70];
	v2 =	vsel vm13, v49, v2;
	v3 =	vsel vm10, v58, v3  }
0x155: {  	v62 =	vperm.xlane v57, v42;
	v2 =	vsel vm14, v50, v2;
	vm11 =	vgt.f32 v60, v3  }
0x156: {  	v2 =	vsel vm8, v51, v2;
	v3 =	vsel vm11, v60, v3  }
0x157: {  	v63 =	vperm.xlane v59, v42;
	v2 =	vsel vm15, v52, v2;
	vm12 =	vgt.f32 v62, v3  }
0x158: {  	v2 =	vsel vm9, v53, v2;
	v3 =	vsel vm12, v62, v3  }
0x159: {  	v4 =	vperm.xlane v61, v42;
	v2 =	vsel vm10, v54, v2;
	vm13 =	vgt.f32 v63, v3  }
0x15a: {  	v1 =	vadd.s32 $0x2D, v28;
	v2 =	vsel vm11, v55, v2;
	v3 =	vsel vm13, v63, v3  }
0x15b: {  	v2 =	vsel vm12, v57, v2;
	vm14 =	vgt.f32 v4, v3  }
0x15c: {  	v2 =	vsel vm13, v59, v2;
	v3 =	vsel vm14, v4, v3  }
0x15d: {  	v2 =	vsel vm14, v61, v2;
	vm15 =	veq.f32 v3, $-Inf  }
0x15e: {  	s31 =	simm.s32 $0x1A80;
	v0 =	vsel vm15, v0, v2  }
0x15f: {  	p0 =	sne.s32 s2, $0x0;
	[tilespmem:v1+s31+$0x0] =	vst.idx.msk $0x1f, v0  }
0x160: {  	_ =	sfence.sel @p0 $0x180000  }
0x161: {  	[bflag:$0x0] =	sbarrier.arrive @p0 $0xFFFF  }
0x162: {  	_ =	strace @p0 $0x90000047  }
0x163: {  	s2 =	simm.s32 @!p0 $0x0;
	s3 =	simm.s32 @!p0 $0x1A80;
	[bflag:$0x2] =	sbarrier.arrive @p0 $0xFFFF  }
0x164: {  	[hbm4b:s1+s2] =	stream.linear.scatter @!p0 [tilespmem:s3], [sflag:$0x2], $0x80, $0x38;
	[tilespmem:$0x1BA0] =	vst v63  }
0x165: {  	s1 =	simm.s32 @!p0 $0x2  }
0x166: {  	_ =	swait.ge @!p0 [sflag:s1], $0x80  }
0x167: {  	[sflag:s1] =	ssyncset.done @!p0 $0x0  }
0x168: {  	[sflag:s1] =	ssyncadd.s32 @!p0 $0xFFFFFF80  }
0x169: {  	_ =	sfence.sel @!p0 $0x180000  }
0x16a: {  	[bflag:$0x0] =	sbarrier.arrive @!p0 $0xFFFF  }
0x16b: {  	_ =	strace @!p0 $0x90000047  }
0x16c: {  	s0 =	sadd.s32 @!p0 $0x100000, s0;
	[bflag:$0x2] =	sbarrier.arrive @!p0 $0xFFFF  }
0x16d: {  	[sflag:s0] =	ssyncadd.tile.s32 @!p0 $0x1;
	_ =	shalt  }
.Lfunc_end2:
_tile_overlayer_lowered:
.L_overlay_start_2:
0x16e: {  	(tag) =	ssettag $0x2  }
0x16f: {  	s0 =	rddreg [dreg:$0x0];
	s2 =	stileid.u32  }
0x170: {  	s1 =	rddreg [dreg:$0x1];
	p0 =	sne.s32 s2, $0x0  }
0x171: {  	s3 =	rddreg [dreg:$0x2];
	[bflag:$0x3] =	sbarrier.arrive $0xFFFF;
	s2 =	simm.s32 @!p0 $0x1C02  }
0x172: {  	[timem:s3], [sflag:s2] =	dma.local @!p0 [hbm:s0], s1  }
0x173: {  	s0 =	simm.s32 @!p0 $0x2  }
0x174: {  	_ =	swait.ge @!p0 [sflag:s0], s1  }
0x175: {  	s1 =	ssub.s32 @!p0 $0x0, s1;
	[sflag:s0] =	ssyncset.done @!p0 $0x0  }
0x176: {  	[sflag:s0] =	ssyncadd.s32 @!p0 s1  }
0x177: {  	[bflag:$0x3] =	sbarrier.arrive $0xFFFF  }
0x178: {  	_ =	shalt  }

</sc_bundles>
